<compile_context>
chip_gen: v7x
topology: tpu7x:2x2x1
jax: 0.10.2.dev20260603
libtpu: 0.0.44.dev20260713+nightly
codegen_flags: <defaults>
</compile_context>

<pallas_src>
import functools

import jax
import jax.numpy as jnp
from jax import lax
from jax.experimental import pallas as pl
from jax.experimental.pallas import tpu as pltpu
from jax.experimental.pallas import tpu_sc as plsc

N = 10000
E = 320000
D = 128
NC = 2
NS = 16
NW = NC * NS
EPT = E // NW
CHUNK = 40
NPAD = 10240
RPT = NPAD // NS
ZR = 128

_mesh = plsc.VectorSubcoreMesh(core_axis_name="c", subcore_axis_name="s")


@functools.partial(
    pl.kernel,
    out_type=jax.ShapeDtypeStruct((NW * N,), jnp.float32),
    mesh=_mesh,
    scratch_types=[
        pltpu.VMEM((EPT,), jnp.int32),
        pltpu.VMEM((N,), jnp.float32),
    ],
    compiler_params=pltpu.CompilerParams(needs_layout_passes=False),
)
def _deg_kernel(eflat_hbm, out_hbm, src_v, hist_v):
    c = lax.axis_index("c")
    s = lax.axis_index("s")
    wid = s * NC + c

    pltpu.sync_copy(eflat_hbm.at[pl.ds(wid * EPT, EPT)], src_v)

    zeros = jnp.zeros((16,), jnp.float32)

    def zbody(i, carry):
        hist_v[pl.ds(i * 16, 16)] = zeros
        return carry

    lax.fori_loop(0, N // 16, zbody, 0, unroll=4)

    ones = jnp.ones((16,), jnp.float32)

    def body(i, carry):
        idx = src_v[pl.ds(i * 16, 16)]
        plsc.addupdate_scatter(hist_v, [idx], ones)
        return carry

    lax.fori_loop(0, EPT // 16, body, 0, unroll=8)

    pltpu.sync_copy(hist_v, out_hbm.at[pl.ds(wid * N, N)])


def _prep_body(x_ref, hist_ref, xn_ref, invd_ref):
    deg = jnp.sum(hist_ref[...], axis=0)
    invd = lax.rsqrt(deg + 1.0)
    xn_ref[pl.ds(0, N), :] = x_ref[...] * invd[:, None]
    invd_ref[...] = invd[:, None]


_prep_call = pl.pallas_call(
    _prep_body,
    out_shape=[
        jax.ShapeDtypeStruct((NPAD, D), jnp.float32),
        jax.ShapeDtypeStruct((N, 1), jnp.float32),
    ],
)


TCH = E // CHUNK
CPT = TCH // NW
NSLOT = 6


@functools.partial(
    pl.kernel,
    out_type=jax.ShapeDtypeStruct((NC, NPAD, D), jnp.float32),
    mesh=_mesh,
    scratch_types=[
        pltpu.VMEM((CPT * CHUNK,), jnp.int32),
        [pltpu.VMEM((CHUNK,), jnp.int32) for _ in range(NSLOT)],
        [pltpu.VMEM((CHUNK, D), jnp.float32) for _ in range(NSLOT)],
        pltpu.VMEM((CHUNK, D), jnp.float32),
        pltpu.VMEM_SHARED((NPAD, D), jnp.float32),
        [pltpu.SemaphoreType.DMA for _ in range(NSLOT)],
        [pltpu.SemaphoreType.DMA for _ in range(NSLOT)],
        [pltpu.SemaphoreType.DMA for _ in range(NSLOT)],
    ],
)
def _agg_kernel(xn_hbm, eflat_hbm, out_hbm, sidx_all, didx, rows,
                zbuf, acc_sh, sem_i, sem_g, sem_s):
    c = lax.axis_index("c")
    s = lax.axis_index("s")
    wid = s * NC + c
    g0 = wid * CPT

    pltpu.sync_copy(eflat_hbm.at[pl.ds(g0 * CHUNK, CPT * CHUNK)], sidx_all)

    for k in range(NSLOT):
        pltpu.async_copy(eflat_hbm.at[pl.ds(E + (g0 + k) * CHUNK, CHUNK)],
                         didx[k], sem_i[k])
        pltpu.async_copy(xn_hbm.at[sidx_all.at[pl.ds(k * CHUNK, CHUNK)]],
                         rows[k], sem_g[k])

    half = RPT // 2
    xoff = c * (NPAD // 2)
    zoff = (1 - c) * (NPAD // 2)
    pltpu.sync_copy(xn_hbm.at[pl.ds(xoff + s * half, half)],
                    acc_sh.at[pl.ds(xoff + s * half, half)])
    zeros = jnp.zeros((16,), jnp.float32)

    def zbody(i, carry):
        r = i // (D // 16)
        k = i % (D // 16)
        zbuf[r, pl.ds(k * 16, 16)] = zeros
        return carry

    lax.fori_loop(0, CHUNK * (D // 16), zbody, 0, unroll=4)

    def zcopy(i, carry):
        pltpu.sync_copy(zbuf,
                        acc_sh.at[pl.ds(zoff + s * half + i * CHUNK, CHUNK)])
        return carry

    lax.fori_loop(0, half // CHUNK, zcopy, 0)

    plsc.subcore_barrier()

    def body(u, carry):
        for k in range(NSLOT):
            j = u * NSLOT + k

            @pl.when(jnp.logical_and(j < CPT, j >= NSLOT))
            def _(k=k):
                pltpu.make_async_copy(rows[k], acc_sh.at[didx[k]],
                                      sem_s[k]).wait()

            @pl.when(jnp.logical_and(j < CPT, j >= NSLOT))
            def _(j=j, k=k):
                pltpu.async_copy(
                    eflat_hbm.at[pl.ds(E + (g0 + j) * CHUNK, CHUNK)],
                    didx[k], sem_i[k])
                pltpu.async_copy(
                    xn_hbm.at[sidx_all.at[pl.ds(j * CHUNK, CHUNK)]],
                    rows[k], sem_g[k])

        for k in range(NSLOT):
            j = u * NSLOT + k

            @pl.when(j < CPT)
            def _(k=k):
                pltpu.make_async_copy(
                    xn_hbm.at[sidx_all.at[pl.ds(0, CHUNK)]], rows[k],
                    sem_g[k]).wait()
                pltpu.make_async_copy(eflat_hbm.at[pl.ds(0, CHUNK)],
                                      didx[k], sem_i[k]).wait()
                pltpu.async_copy(rows[k], acc_sh.at[didx[k]], sem_s[k],
                                 add=True)

        return carry

    lax.fori_loop(0, (CPT + NSLOT - 1) // NSLOT, body, 0)

    for k in range(NSLOT):
        pltpu.make_async_copy(rows[k], acc_sh.at[didx[k]], sem_s[k]).wait()

    plsc.subcore_barrier()

    pltpu.sync_copy(acc_sh.at[pl.ds(s * RPT, RPT)],
                    out_hbm.at[c, pl.ds(s * RPT, RPT)])


def _out_body(agg_ref, invd_ref, w_ref, b_ref, o_ref):
    z = (agg_ref[0] + agg_ref[1]) * invd_ref[...]
    o_ref[...] = lax.dot_general(
        z, w_ref[...], (((1,), (1,)), ((), ())),
        preferred_element_type=jnp.float32) + b_ref[...]


_R = 2048

_out_call = pl.pallas_call(
    _out_body,
    grid=((N + _R - 1) // _R,),
    in_specs=[
        pl.BlockSpec((NC, _R, D), lambda i: (0, i, 0)),
        pl.BlockSpec((_R, 1), lambda i: (i, 0)),
        pl.BlockSpec((D, D), lambda i: (0, 0)),
        pl.BlockSpec((1, D), lambda i: (0, 0)),
    ],
    out_specs=pl.BlockSpec((_R, D), lambda i: (i, 0)),
    out_shape=jax.ShapeDtypeStruct((N, D), jnp.float32),
)


def kernel(x, edge_index, W, b):
    eflat = edge_index.reshape(2 * E)
    hist = _deg_kernel(eflat).reshape(NW, N)
    xn, invd = _prep_call(x, hist)
    agg2 = _agg_kernel(xn, eflat)
    return _out_call(agg2, invd, W, b.reshape(1, D))

# --- scband reference (transcript-rebuilt; emitter-appended) ---
"""Pipeline reference for scband-gcnconv-90615220011128 (READ-ONLY COPY).

The authoritative reference and input builder live on the scoring server;
editing this copy changes nothing except your own understanding.
"""

import jax, jax.numpy as jnp
import numpy as np

N_NODES = 10000
N_EDGES = 320000
D_IN = 128
D_OUT = 128


def setup_inputs(seed: int = 0) -> dict:
    key = jax.random.key(seed)
    k1, k2, k3, k4 = jax.random.split(key, 4)
    x = jax.random.normal(k1, (N_NODES, D_IN), dtype=jnp.float32)
    edge_index = jax.random.randint(k2, (2, N_EDGES), 0, N_NODES, dtype=jnp.int32)
    # Linear layer params (torch.nn.Linear: weight [out, in], bias [out])
    bound = 1.0 / np.sqrt(D_IN)
    W = jax.random.uniform(k3, (D_OUT, D_IN), dtype=jnp.float32, minval=-bound, maxval=bound)
    b = jax.random.uniform(k4, (D_OUT,), dtype=jnp.float32, minval=-bound, maxval=bound)
    return {"x": x, "edge_index": edge_index, "W": W, "b": b}


def reference(x, edge_index, W, b):
    N = x.shape[0]
    # degrees = sqrt(degree(edge_index[0]) + 1)
    deg = jnp.bincount(edge_index[0], length=N).astype(x.dtype)
    deg = jnp.sqrt(deg + 1.0)
    xn = x / deg[:, None]
    # message passing: gather from src, scatter-add to dst, with self-loop (out=x adds into x)
    temp = jnp.take(xn, edge_index[0], axis=0)
    agg = jax.ops.segment_sum(temp, edge_index[1], num_segments=N)
    xn = xn + agg
    xn = xn / deg[:, None]
    # linear
    out = xn @ W.T + b
    return out

if __name__ == "__main__":
    import jax
    _d = setup_inputs()
    print(jax.jit(kernel)(*tuple(_d.values())))

</pallas_src>

<mosaic_0001>
#map = affine_map<(d0, d1) -> (0, 0)>
#map1 = affine_map<(d0, d1) -> (0)>
#map2 = affine_map<(d0, d1) -> (0, 0, 0)>
module attributes {stable_mosaic.version = 14 : i64} {
  func.func @_agg_kernel(%arg0: i32, %arg1: i32, %arg2: memref<10240x128xf32, #tpu.memory_space<hbm>>, %arg3: memref<640000xi32, #tpu.memory_space<hbm>>, %arg4: memref<2x10240x128xf32, #tpu.memory_space<hbm>>, %arg5: memref<10000xi32, #tpu.memory_space<vmem>>, %arg6: memref<40xi32, #tpu.memory_space<vmem>>, %arg7: memref<40xi32, #tpu.memory_space<vmem>>, %arg8: memref<40xi32, #tpu.memory_space<vmem>>, %arg9: memref<40xi32, #tpu.memory_space<vmem>>, %arg10: memref<40xi32, #tpu.memory_space<vmem>>, %arg11: memref<40xi32, #tpu.memory_space<vmem>>, %arg12: memref<40x128xf32, #tpu.memory_space<vmem>>, %arg13: memref<40x128xf32, #tpu.memory_space<vmem>>, %arg14: memref<40x128xf32, #tpu.memory_space<vmem>>, %arg15: memref<40x128xf32, #tpu.memory_space<vmem>>, %arg16: memref<40x128xf32, #tpu.memory_space<vmem>>, %arg17: memref<40x128xf32, #tpu.memory_space<vmem>>, %arg18: memref<40x128xf32, #tpu.memory_space<vmem>>, %arg19: memref<10240x128xf32, #tpu.memory_space<vmem_shared>>, %arg20: memref<!tpu.dma_semaphore, #tpu.memory_space<semaphore_mem>>, %arg21: memref<!tpu.dma_semaphore, #tpu.memory_space<semaphore_mem>>, %arg22: memref<!tpu.dma_semaphore, #tpu.memory_space<semaphore_mem>>, %arg23: memref<!tpu.dma_semaphore, #tpu.memory_space<semaphore_mem>>, %arg24: memref<!tpu.dma_semaphore, #tpu.memory_space<semaphore_mem>>, %arg25: memref<!tpu.dma_semaphore, #tpu.memory_space<semaphore_mem>>, %arg26: memref<!tpu.dma_semaphore, #tpu.memory_space<semaphore_mem>>, %arg27: memref<!tpu.dma_semaphore, #tpu.memory_space<semaphore_mem>>, %arg28: memref<!tpu.dma_semaphore, #tpu.memory_space<semaphore_mem>>, %arg29: memref<!tpu.dma_semaphore, #tpu.memory_space<semaphore_mem>>, %arg30: memref<!tpu.dma_semaphore, #tpu.memory_space<semaphore_mem>>, %arg31: memref<!tpu.dma_semaphore, #tpu.memory_space<semaphore_mem>>, %arg32: memref<!tpu.dma_semaphore, #tpu.memory_space<semaphore_mem>>, %arg33: memref<!tpu.dma_semaphore, #tpu.memory_space<semaphore_mem>>, %arg34: memref<!tpu.dma_semaphore, #tpu.memory_space<semaphore_mem>>, %arg35: memref<!tpu.dma_semaphore, #tpu.memory_space<semaphore_mem>>, %arg36: memref<!tpu.dma_semaphore, #tpu.memory_space<semaphore_mem>>, %arg37: memref<!tpu.dma_semaphore, #tpu.memory_space<semaphore_mem>>) attributes {dimension_semantics = [#tpu.dimension_semantics<core_parallel>, #tpu.dimension_semantics<subcore_parallel>], iteration_bounds = array<i64: 2, 16>, scalar_prefetch = 0 : i64, scratch_operands = 33 : i64, tpu.core_type = #tpu.core_type<sc_vector_subcore>, window_params = [{transform_indices = #map}, {transform_indices = #map1}, {transform_indices = #map2}]} {
    %mul3A = arith.constant 2 : i32
    %mul3A_0 = arith.muli %arg1, %mul3A : i32
    %add3A = arith.addi %mul3A_0, %arg0 : i32
    %mul3A_1 = arith.constant 250 : i32
    %mul3A_2 = arith.muli %add3A, %mul3A_1 : i32
    %mul3A_3 = arith.constant 40 : i32
    %mul3A_4 = arith.muli %mul3A_2, %mul3A_3 : i32
    "tpu.region"() ({
      %run_scoped3A = tpu.sem_alloc : memref<!tpu.dma_semaphore, #tpu.memory_space<semaphore_mem>>
      %dma_start3A_133 = tpu.memref_slice %arg3[%mul3A_4] : memref<640000xi32, #tpu.memory_space<hbm>> -> memref<10000xi32, #tpu.memory_space<hbm>>
      %dma_start3A_134 = tpu.memref_slice %arg3[%mul3A_4] : memref<640000xi32, #tpu.memory_space<hbm>> -> memref<10000xi32, #tpu.memory_space<hbm>>
      tpu.enqueue_dma source(%dma_start3A_134 : memref<10000xi32, #tpu.memory_space<hbm>>) target(%arg5 : memref<10000xi32, #tpu.memory_space<vmem>>) target_semaphore(%run_scoped3A : memref<!tpu.dma_semaphore, #tpu.memory_space<semaphore_mem>>)
      %dma_wait3A_135 = tpu.memref_slice %arg3[%mul3A_4] : memref<640000xi32, #tpu.memory_space<hbm>> -> memref<10000xi32, #tpu.memory_space<hbm>>
      %dma_wait3A_136 = tpu.memref_slice %arg3[%mul3A_4] : memref<640000xi32, #tpu.memory_space<hbm>> -> memref<10000xi32, #tpu.memory_space<hbm>>
      tpu.wait_dma2 semaphore(%run_scoped3A : memref<!tpu.dma_semaphore, #tpu.memory_space<semaphore_mem>>) src(%dma_wait3A_136 : memref<10000xi32, #tpu.memory_space<hbm>>) dst(%arg5 : memref<10000xi32, #tpu.memory_space<vmem>>)
      tpu.yield
    }) : () -> ()
    %add3A_5 = arith.constant 0 : i32
    %add3A_6 = arith.addi %mul3A_2, %add3A_5 : i32
    %mul3A_7 = arith.constant 40 : i32
    %mul3A_8 = arith.muli %add3A_6, %mul3A_7 : i32
    %add3A_9 = arith.constant 320000 : i32
    %add3A_10 = arith.addi %add3A_9, %mul3A_8 : i32
    %dma_start3A = tpu.memref_slice %arg3[%add3A_10] : memref<640000xi32, #tpu.memory_space<hbm>> -> memref<40xi32, #tpu.memory_space<hbm>>
    %dma_start3A_11 = tpu.memref_slice %arg3[%add3A_10] : memref<640000xi32, #tpu.memory_space<hbm>> -> memref<40xi32, #tpu.memory_space<hbm>>
    tpu.enqueue_dma source(%dma_start3A_11 : memref<40xi32, #tpu.memory_space<hbm>>) target(%arg6 : memref<40xi32, #tpu.memory_space<vmem>>) target_semaphore(%arg20 : memref<!tpu.dma_semaphore, #tpu.memory_space<semaphore_mem>>)
    %dma_start3A_12 = arith.constant 0 : i32
    %dma_start3A_13 = tpu.memref_slice %arg5[%dma_start3A_12] : memref<10000xi32, #tpu.memory_space<vmem>> -> memref<40xi32, #tpu.memory_space<vmem>>
    %dma_start3A_14 = arith.constant 0 : i32
    %dma_start3A_15 = arith.constant 0 : i32
    %dma_start3A_16 = tpu.memref_slice %arg2[%dma_start3A_14, %dma_start3A_15] : memref<10240x128xf32, #tpu.memory_space<hbm>> -> memref<10240x128xf32, #tpu.memory_space<hbm>>
    tpu.enqueue_indirect_dma source(%dma_start3A_16 : memref<10240x128xf32, #tpu.memory_space<hbm>>) target(%arg12 : memref<40x128xf32, #tpu.memory_space<vmem>>) offsets(%dma_start3A_13 : memref<40xi32, #tpu.memory_space<vmem>>) semaphore(%arg26 : memref<!tpu.dma_semaphore, #tpu.memory_space<semaphore_mem>>)
    %add3A_17 = arith.constant 1 : i32
    %add3A_18 = arith.addi %mul3A_2, %add3A_17 : i32
    %mul3A_19 = arith.constant 40 : i32
    %mul3A_20 = arith.muli %add3A_18, %mul3A_19 : i32
    %add3A_21 = arith.constant 320000 : i32
    %add3A_22 = arith.addi %add3A_21, %mul3A_20 : i32
    %dma_start3A_23 = tpu.memref_slice %arg3[%add3A_22] : memref<640000xi32, #tpu.memory_space<hbm>> -> memref<40xi32, #tpu.memory_space<hbm>>
    %dma_start3A_24 = tpu.memref_slice %arg3[%add3A_22] : memref<640000xi32, #tpu.memory_space<hbm>> -> memref<40xi32, #tpu.memory_space<hbm>>
    tpu.enqueue_dma source(%dma_start3A_24 : memref<40xi32, #tpu.memory_space<hbm>>) target(%arg7 : memref<40xi32, #tpu.memory_space<vmem>>) target_semaphore(%arg21 : memref<!tpu.dma_semaphore, #tpu.memory_space<semaphore_mem>>)
    %dma_start3A_25 = arith.constant 40 : i32
    %dma_start3A_26 = tpu.memref_slice %arg5[%dma_start3A_25] : memref<10000xi32, #tpu.memory_space<vmem>> -> memref<40xi32, #tpu.memory_space<vmem>>
    %dma_start3A_27 = arith.constant 0 : i32
    %dma_start3A_28 = arith.constant 0 : i32
    %dma_start3A_29 = tpu.memref_slice %arg2[%dma_start3A_27, %dma_start3A_28] : memref<10240x128xf32, #tpu.memory_space<hbm>> -> memref<10240x128xf32, #tpu.memory_space<hbm>>
    tpu.enqueue_indirect_dma source(%dma_start3A_29 : memref<10240x128xf32, #tpu.memory_space<hbm>>) target(%arg13 : memref<40x128xf32, #tpu.memory_space<vmem>>) offsets(%dma_start3A_26 : memref<40xi32, #tpu.memory_space<vmem>>) semaphore(%arg27 : memref<!tpu.dma_semaphore, #tpu.memory_space<semaphore_mem>>)
    %add3A_30 = arith.constant 2 : i32
    %add3A_31 = arith.addi %mul3A_2, %add3A_30 : i32
    %mul3A_32 = arith.constant 40 : i32
    %mul3A_33 = arith.muli %add3A_31, %mul3A_32 : i32
    %add3A_34 = arith.constant 320000 : i32
    %add3A_35 = arith.addi %add3A_34, %mul3A_33 : i32
    %dma_start3A_36 = tpu.memref_slice %arg3[%add3A_35] : memref<640000xi32, #tpu.memory_space<hbm>> -> memref<40xi32, #tpu.memory_space<hbm>>
    %dma_start3A_37 = tpu.memref_slice %arg3[%add3A_35] : memref<640000xi32, #tpu.memory_space<hbm>> -> memref<40xi32, #tpu.memory_space<hbm>>
    tpu.enqueue_dma source(%dma_start3A_37 : memref<40xi32, #tpu.memory_space<hbm>>) target(%arg8 : memref<40xi32, #tpu.memory_space<vmem>>) target_semaphore(%arg22 : memref<!tpu.dma_semaphore, #tpu.memory_space<semaphore_mem>>)
    %dma_start3A_38 = arith.constant 80 : i32
    %dma_start3A_39 = tpu.memref_slice %arg5[%dma_start3A_38] : memref<10000xi32, #tpu.memory_space<vmem>> -> memref<40xi32, #tpu.memory_space<vmem>>
    %dma_start3A_40 = arith.constant 0 : i32
    %dma_start3A_41 = arith.constant 0 : i32
    %dma_start3A_42 = tpu.memref_slice %arg2[%dma_start3A_40, %dma_start3A_41] : memref<10240x128xf32, #tpu.memory_space<hbm>> -> memref<10240x128xf32, #tpu.memory_space<hbm>>
    tpu.enqueue_indirect_dma source(%dma_start3A_42 : memref<10240x128xf32, #tpu.memory_space<hbm>>) target(%arg14 : memref<40x128xf32, #tpu.memory_space<vmem>>) offsets(%dma_start3A_39 : memref<40xi32, #tpu.memory_space<vmem>>) semaphore(%arg28 : memref<!tpu.dma_semaphore, #tpu.memory_space<semaphore_mem>>)
    %add3A_43 = arith.constant 3 : i32
    %add3A_44 = arith.addi %mul3A_2, %add3A_43 : i32
    %mul3A_45 = arith.constant 40 : i32
    %mul3A_46 = arith.muli %add3A_44, %mul3A_45 : i32
    %add3A_47 = arith.constant 320000 : i32
    %add3A_48 = arith.addi %add3A_47, %mul3A_46 : i32
    %dma_start3A_49 = tpu.memref_slice %arg3[%add3A_48] : memref<640000xi32, #tpu.memory_space<hbm>> -> memref<40xi32, #tpu.memory_space<hbm>>
    %dma_start3A_50 = tpu.memref_slice %arg3[%add3A_48] : memref<640000xi32, #tpu.memory_space<hbm>> -> memref<40xi32, #tpu.memory_space<hbm>>
    tpu.enqueue_dma source(%dma_start3A_50 : memref<40xi32, #tpu.memory_space<hbm>>) target(%arg9 : memref<40xi32, #tpu.memory_space<vmem>>) target_semaphore(%arg23 : memref<!tpu.dma_semaphore, #tpu.memory_space<semaphore_mem>>)
    %dma_start3A_51 = arith.constant 120 : i32
    %dma_start3A_52 = tpu.memref_slice %arg5[%dma_start3A_51] : memref<10000xi32, #tpu.memory_space<vmem>> -> memref<40xi32, #tpu.memory_space<vmem>>
    %dma_start3A_53 = arith.constant 0 : i32
    %dma_start3A_54 = arith.constant 0 : i32
    %dma_start3A_55 = tpu.memref_slice %arg2[%dma_start3A_53, %dma_start3A_54] : memref<10240x128xf32, #tpu.memory_space<hbm>> -> memref<10240x128xf32, #tpu.memory_space<hbm>>
    tpu.enqueue_indirect_dma source(%dma_start3A_55 : memref<10240x128xf32, #tpu.memory_space<hbm>>) target(%arg15 : memref<40x128xf32, #tpu.memory_space<vmem>>) offsets(%dma_start3A_52 : memref<40xi32, #tpu.memory_space<vmem>>) semaphore(%arg29 : memref<!tpu.dma_semaphore, #tpu.memory_space<semaphore_mem>>)
    %add3A_56 = arith.constant 4 : i32
    %add3A_57 = arith.addi %mul3A_2, %add3A_56 : i32
    %mul3A_58 = arith.constant 40 : i32
    %mul3A_59 = arith.muli %add3A_57, %mul3A_58 : i32
    %add3A_60 = arith.constant 320000 : i32
    %add3A_61 = arith.addi %add3A_60, %mul3A_59 : i32
    %dma_start3A_62 = tpu.memref_slice %arg3[%add3A_61] : memref<640000xi32, #tpu.memory_space<hbm>> -> memref<40xi32, #tpu.memory_space<hbm>>
    %dma_start3A_63 = tpu.memref_slice %arg3[%add3A_61] : memref<640000xi32, #tpu.memory_space<hbm>> -> memref<40xi32, #tpu.memory_space<hbm>>
    tpu.enqueue_dma source(%dma_start3A_63 : memref<40xi32, #tpu.memory_space<hbm>>) target(%arg10 : memref<40xi32, #tpu.memory_space<vmem>>) target_semaphore(%arg24 : memref<!tpu.dma_semaphore, #tpu.memory_space<semaphore_mem>>)
    %dma_start3A_64 = arith.constant 160 : i32
    %dma_start3A_65 = tpu.memref_slice %arg5[%dma_start3A_64] : memref<10000xi32, #tpu.memory_space<vmem>> -> memref<40xi32, #tpu.memory_space<vmem>>
    %dma_start3A_66 = arith.constant 0 : i32
    %dma_start3A_67 = arith.constant 0 : i32
    %dma_start3A_68 = tpu.memref_slice %arg2[%dma_start3A_66, %dma_start3A_67] : memref<10240x128xf32, #tpu.memory_space<hbm>> -> memref<10240x128xf32, #tpu.memory_space<hbm>>
    tpu.enqueue_indirect_dma source(%dma_start3A_68 : memref<10240x128xf32, #tpu.memory_space<hbm>>) target(%arg16 : memref<40x128xf32, #tpu.memory_space<vmem>>) offsets(%dma_start3A_65 : memref<40xi32, #tpu.memory_space<vmem>>) semaphore(%arg30 : memref<!tpu.dma_semaphore, #tpu.memory_space<semaphore_mem>>)
    %add3A_69 = arith.constant 5 : i32
    %add3A_70 = arith.addi %mul3A_2, %add3A_69 : i32
    %mul3A_71 = arith.constant 40 : i32
    %mul3A_72 = arith.muli %add3A_70, %mul3A_71 : i32
    %add3A_73 = arith.constant 320000 : i32
    %add3A_74 = arith.addi %add3A_73, %mul3A_72 : i32
    %dma_start3A_75 = tpu.memref_slice %arg3[%add3A_74] : memref<640000xi32, #tpu.memory_space<hbm>> -> memref<40xi32, #tpu.memory_space<hbm>>
    %dma_start3A_76 = tpu.memref_slice %arg3[%add3A_74] : memref<640000xi32, #tpu.memory_space<hbm>> -> memref<40xi32, #tpu.memory_space<hbm>>
    tpu.enqueue_dma source(%dma_start3A_76 : memref<40xi32, #tpu.memory_space<hbm>>) target(%arg11 : memref<40xi32, #tpu.memory_space<vmem>>) target_semaphore(%arg25 : memref<!tpu.dma_semaphore, #tpu.memory_space<semaphore_mem>>)
    %dma_start3A_77 = arith.constant 200 : i32
    %dma_start3A_78 = tpu.memref_slice %arg5[%dma_start3A_77] : memref<10000xi32, #tpu.memory_space<vmem>> -> memref<40xi32, #tpu.memory_space<vmem>>
    %dma_start3A_79 = arith.constant 0 : i32
    %dma_start3A_80 = arith.constant 0 : i32
    %dma_start3A_81 = tpu.memref_slice %arg2[%dma_start3A_79, %dma_start3A_80] : memref<10240x128xf32, #tpu.memory_space<hbm>> -> memref<10240x128xf32, #tpu.memory_space<hbm>>
    tpu.enqueue_indirect_dma source(%dma_start3A_81 : memref<10240x128xf32, #tpu.memory_space<hbm>>) target(%arg17 : memref<40x128xf32, #tpu.memory_space<vmem>>) offsets(%dma_start3A_78 : memref<40xi32, #tpu.memory_space<vmem>>) semaphore(%arg31 : memref<!tpu.dma_semaphore, #tpu.memory_space<semaphore_mem>>)
    %mul3A_82 = arith.constant 5120 : i32
    %mul3A_83 = arith.muli %arg0, %mul3A_82 : i32
    %sub3A = arith.constant 1 : i32
    %sub3A_84 = arith.subi %sub3A, %arg0 : i32
    %mul3A_85 = arith.constant 5120 : i32
    %mul3A_86 = arith.muli %sub3A_84, %mul3A_85 : i32
    %mul3A_87 = arith.constant 320 : i32
    %mul3A_88 = arith.muli %arg1, %mul3A_87 : i32
    %add3A_89 = arith.addi %mul3A_83, %mul3A_88 : i32
    %mul3A_90 = arith.constant 320 : i32
    %mul3A_91 = arith.muli %arg1, %mul3A_90 : i32
    %add3A_92 = arith.addi %mul3A_83, %mul3A_91 : i32
    "tpu.region"() ({
      %run_scoped3A = tpu.sem_alloc : memref<!tpu.dma_semaphore, #tpu.memory_space<semaphore_mem>>
      %dma_start3A_133 = arith.constant 0 : i32
      %dma_start3A_134 = tpu.memref_slice %arg19[%add3A_92, %dma_start3A_133] : memref<10240x128xf32, #tpu.memory_space<vmem_shared>> -> memref<320x128xf32, #tpu.memory_space<vmem_shared>>
      %dma_start3A_135 = arith.constant 0 : i32
      %dma_start3A_136 = tpu.memref_slice %arg2[%add3A_89, %dma_start3A_135] : memref<10240x128xf32, #tpu.memory_space<hbm>> -> memref<320x128xf32, #tpu.memory_space<hbm>>
      tpu.enqueue_dma source(%dma_start3A_136 : memref<320x128xf32, #tpu.memory_space<hbm>>) target(%dma_start3A_134 : memref<320x128xf32, #tpu.memory_space<vmem_shared>>) target_semaphore(%run_scoped3A : memref<!tpu.dma_semaphore, #tpu.memory_space<semaphore_mem>>)
      %dma_wait3A_137 = arith.constant 0 : i32
      %dma_wait3A_138 = tpu.memref_slice %arg19[%add3A_92, %dma_wait3A_137] : memref<10240x128xf32, #tpu.memory_space<vmem_shared>> -> memref<320x128xf32, #tpu.memory_space<vmem_shared>>
      %dma_wait3A_139 = arith.constant 0 : i32
      %dma_wait3A_140 = tpu.memref_slice %arg2[%add3A_89, %dma_wait3A_139] : memref<10240x128xf32, #tpu.memory_space<hbm>> -> memref<320x128xf32, #tpu.memory_space<hbm>>
      tpu.wait_dma2 semaphore(%run_scoped3A : memref<!tpu.dma_semaphore, #tpu.memory_space<semaphore_mem>>) src(%dma_wait3A_140 : memref<320x128xf32, #tpu.memory_space<hbm>>) dst(%dma_wait3A_138 : memref<320x128xf32, #tpu.memory_space<vmem_shared>>)
      tpu.yield
    }) : () -> ()
    %broadcast_in_dim3A = arith.constant 0.000000e+00 : f32
    %broadcast_in_dim3A_93 = vector.broadcast %broadcast_in_dim3A : f32 to vector<16xf32>
    %scan3A = arith.constant 0 : i32
    %scan3A_94 = arith.constant 0 : i32
    %scan3A_95 = arith.constant 320 : i32
    %scan3A_96 = arith.addi %scan3A_94, %scan3A_95 : i32
    %scan3A_97 = arith.constant 4 : i32
    scf.for %scan3A_133 = %scan3A_94 to %scan3A_96 step %scan3A_97  : i32 {
      %jit3A = arith.constant 8 : i32
      %div3A = arith.divsi %scan3A_133, %jit3A : i32
      %sign3A = arith.constant 0 : i32
      %sign3A_134 = arith.cmpi sgt, %scan3A_133, %sign3A : i32
      %sign3A_135 = arith.extui %sign3A_134 : i1 to i32
      %sign3A_136 = arith.constant 0 : i32
      %sign3A_137 = arith.cmpi slt, %scan3A_133, %sign3A_136 : i32
      %sign3A_138 = arith.extui %sign3A_137 : i1 to i32
      %sign3A_139 = arith.subi %sign3A_135, %sign3A_138 : i32
      %sign3A_140 = arith.constant 0 : i32
      %sign3A_141 = arith.cmpi sgt, %jit3A, %sign3A_140 : i32
      %sign3A_142 = arith.extui %sign3A_141 : i1 to i32
      %sign3A_143 = arith.constant 0 : i32
      %sign3A_144 = arith.cmpi slt, %jit3A, %sign3A_143 : i32
      %sign3A_145 = arith.extui %sign3A_144 : i1 to i32
      %sign3A_146 = arith.subi %sign3A_142, %sign3A_145 : i32
      %ne3A = arith.cmpi ne, %sign3A_139, %sign3A_146 : i32
      %rem3A = arith.remsi %scan3A_133, %jit3A : i32
      %ne3A_147 = arith.constant 0 : i32
      %ne3A_148 = arith.cmpi ne, %rem3A, %ne3A_147 : i32
      %and3A = arith.andi %ne3A, %ne3A_148 : i1
      %sub3A_149 = arith.constant 1 : i32
      %sub3A_150 = arith.subi %div3A, %sub3A_149 : i32
      %select_n3A = arith.select %and3A, %sub3A_150, %div3A : i32
      %jit3A_151 = arith.constant 8 : i32
      %eq3A = arith.constant 0 : i32
      %eq3A_152 = arith.cmpi eq, %jit3A_151, %eq3A : i32
      %jit3A_153 = arith.constant 1 : i32
      %select_n3A_154 = arith.select %eq3A_152, %jit3A_153, %jit3A_151 : i32
      %rem3A_155 = arith.remsi %scan3A_133, %select_n3A_154 : i32
      %ne3A_156 = arith.constant 0 : i32
      %ne3A_157 = arith.cmpi ne, %rem3A_155, %ne3A_156 : i32
      %lt3A = arith.constant 0 : i32
      %lt3A_158 = arith.cmpi slt, %rem3A_155, %lt3A : i32
      %lt3A_159 = arith.constant 0 : i32
      %lt3A_160 = arith.cmpi slt, %select_n3A_154, %lt3A_159 : i32
      %ne3A_161 = arith.xori %lt3A_158, %lt3A_160 : i1
      %and3A_162 = arith.andi %ne3A_161, %ne3A_157 : i1
      %add3A_163 = arith.addi %rem3A_155, %select_n3A_154 : i32
      %select_n3A_164 = arith.select %and3A_162, %add3A_163, %rem3A_155 : i32
      %mul3A_165 = arith.constant 16 : i32
      %mul3A_166 = arith.muli %select_n3A_164, %mul3A_165 : i32
      %swap3A = arith.index_cast %select_n3A : i32 to index
      %swap3A_167 = arith.index_cast %mul3A_166 : i32 to index
      %swap3A_168 = tpu.vector_load %arg18[%swap3A, %swap3A_167] {strides = array<i32>} : memref<40x128xf32, #tpu.memory_space<vmem>>, vector<1x16xf32>,
      %swap3A_169 = vector.shape_cast %swap3A_168 : vector<1x16xf32> to vector<16xf32>
      %swap3A_170 = vector.shape_cast %broadcast_in_dim3A_93 : vector<16xf32> to vector<1x16xf32>
      tpu.vector_store %arg18[%swap3A, %swap3A_167], %swap3A_170 {strides = array<i32>} : memref<40x128xf32, #tpu.memory_space<vmem>>, vector<1x16xf32>,
      %scan3A_171 = arith.constant 1 : i32
      %scan3A_172 = arith.addi %scan3A_133, %scan3A_171 : i32
      %jit3A_173 = arith.constant 8 : i32
      %div3A_174 = arith.divsi %scan3A_172, %jit3A_173 : i32
      %sign3A_175 = arith.constant 0 : i32
      %sign3A_176 = arith.cmpi sgt, %scan3A_172, %sign3A_175 : i32
      %sign3A_177 = arith.extui %sign3A_176 : i1 to i32
      %sign3A_178 = arith.constant 0 : i32
      %sign3A_179 = arith.cmpi slt, %scan3A_172, %sign3A_178 : i32
      %sign3A_180 = arith.extui %sign3A_179 : i1 to i32
      %sign3A_181 = arith.subi %sign3A_177, %sign3A_180 : i32
      %sign3A_182 = arith.constant 0 : i32
      %sign3A_183 = arith.cmpi sgt, %jit3A_173, %sign3A_182 : i32
      %sign3A_184 = arith.extui %sign3A_183 : i1 to i32
      %sign3A_185 = arith.constant 0 : i32
      %sign3A_186 = arith.cmpi slt, %jit3A_173, %sign3A_185 : i32
      %sign3A_187 = arith.extui %sign3A_186 : i1 to i32
      %sign3A_188 = arith.subi %sign3A_184, %sign3A_187 : i32
      %ne3A_189 = arith.cmpi ne, %sign3A_181, %sign3A_188 : i32
      %rem3A_190 = arith.remsi %scan3A_172, %jit3A_173 : i32
      %ne3A_191 = arith.constant 0 : i32
      %ne3A_192 = arith.cmpi ne, %rem3A_190, %ne3A_191 : i32
      %and3A_193 = arith.andi %ne3A_189, %ne3A_192 : i1
      %sub3A_194 = arith.constant 1 : i32
      %sub3A_195 = arith.subi %div3A_174, %sub3A_194 : i32
      %select_n3A_196 = arith.select %and3A_193, %sub3A_195, %div3A_174 : i32
      %jit3A_197 = arith.constant 8 : i32
      %eq3A_198 = arith.constant 0 : i32
      %eq3A_199 = arith.cmpi eq, %jit3A_197, %eq3A_198 : i32
      %jit3A_200 = arith.constant 1 : i32
      %select_n3A_201 = arith.select %eq3A_199, %jit3A_200, %jit3A_197 : i32
      %rem3A_202 = arith.remsi %scan3A_172, %select_n3A_201 : i32
      %ne3A_203 = arith.constant 0 : i32
      %ne3A_204 = arith.cmpi ne, %rem3A_202, %ne3A_203 : i32
      %lt3A_205 = arith.constant 0 : i32
      %lt3A_206 = arith.cmpi slt, %rem3A_202, %lt3A_205 : i32
      %lt3A_207 = arith.constant 0 : i32
      %lt3A_208 = arith.cmpi slt, %select_n3A_201, %lt3A_207 : i32
      %ne3A_209 = arith.xori %lt3A_206, %lt3A_208 : i1
      %and3A_210 = arith.andi %ne3A_209, %ne3A_204 : i1
      %add3A_211 = arith.addi %rem3A_202, %select_n3A_201 : i32
      %select_n3A_212 = arith.select %and3A_210, %add3A_211, %rem3A_202 : i32
      %mul3A_213 = arith.constant 16 : i32
      %mul3A_214 = arith.muli %select_n3A_212, %mul3A_213 : i32
      %swap3A_215 = arith.index_cast %select_n3A_196 : i32 to index
      %swap3A_216 = arith.index_cast %mul3A_214 : i32 to index
      %swap3A_217 = tpu.vector_load %arg18[%swap3A_215, %swap3A_216] {strides = array<i32>} : memref<40x128xf32, #tpu.memory_space<vmem>>, vector<1x16xf32>,
      %swap3A_218 = vector.shape_cast %swap3A_217 : vector<1x16xf32> to vector<16xf32>
      %swap3A_219 = vector.shape_cast %broadcast_in_dim3A_93 : vector<16xf32> to vector<1x16xf32>
      tpu.vector_store %arg18[%swap3A_215, %swap3A_216], %swap3A_219 {strides = array<i32>} : memref<40x128xf32, #tpu.memory_space<vmem>>, vector<1x16xf32>,
      %scan3A_220 = arith.constant 2 : i32
      %scan3A_221 = arith.addi %scan3A_133, %scan3A_220 : i32
      %jit3A_222 = arith.constant 8 : i32
      %div3A_223 = arith.divsi %scan3A_221, %jit3A_222 : i32
      %sign3A_224 = arith.constant 0 : i32
      %sign3A_225 = arith.cmpi sgt, %scan3A_221, %sign3A_224 : i32
      %sign3A_226 = arith.extui %sign3A_225 : i1 to i32
      %sign3A_227 = arith.constant 0 : i32
      %sign3A_228 = arith.cmpi slt, %scan3A_221, %sign3A_227 : i32
      %sign3A_229 = arith.extui %sign3A_228 : i1 to i32
      %sign3A_230 = arith.subi %sign3A_226, %sign3A_229 : i32
      %sign3A_231 = arith.constant 0 : i32
      %sign3A_232 = arith.cmpi sgt, %jit3A_222, %sign3A_231 : i32
      %sign3A_233 = arith.extui %sign3A_232 : i1 to i32
      %sign3A_234 = arith.constant 0 : i32
      %sign3A_235 = arith.cmpi slt, %jit3A_222, %sign3A_234 : i32
      %sign3A_236 = arith.extui %sign3A_235 : i1 to i32
      %sign3A_237 = arith.subi %sign3A_233, %sign3A_236 : i32
      %ne3A_238 = arith.cmpi ne, %sign3A_230, %sign3A_237 : i32
      %rem3A_239 = arith.remsi %scan3A_221, %jit3A_222 : i32
      %ne3A_240 = arith.constant 0 : i32
      %ne3A_241 = arith.cmpi ne, %rem3A_239, %ne3A_240 : i32
      %and3A_242 = arith.andi %ne3A_238, %ne3A_241 : i1
      %sub3A_243 = arith.constant 1 : i32
      %sub3A_244 = arith.subi %div3A_223, %sub3A_243 : i32
      %select_n3A_245 = arith.select %and3A_242, %sub3A_244, %div3A_223 : i32
      %jit3A_246 = arith.constant 8 : i32
      %eq3A_247 = arith.constant 0 : i32
      %eq3A_248 = arith.cmpi eq, %jit3A_246, %eq3A_247 : i32
      %jit3A_249 = arith.constant 1 : i32
      %select_n3A_250 = arith.select %eq3A_248, %jit3A_249, %jit3A_246 : i32
      %rem3A_251 = arith.remsi %scan3A_221, %select_n3A_250 : i32
      %ne3A_252 = arith.constant 0 : i32
      %ne3A_253 = arith.cmpi ne, %rem3A_251, %ne3A_252 : i32
      %lt3A_254 = arith.constant 0 : i32
      %lt3A_255 = arith.cmpi slt, %rem3A_251, %lt3A_254 : i32
      %lt3A_256 = arith.constant 0 : i32
      %lt3A_257 = arith.cmpi slt, %select_n3A_250, %lt3A_256 : i32
      %ne3A_258 = arith.xori %lt3A_255, %lt3A_257 : i1
      %and3A_259 = arith.andi %ne3A_258, %ne3A_253 : i1
      %add3A_260 = arith.addi %rem3A_251, %select_n3A_250 : i32
      %select_n3A_261 = arith.select %and3A_259, %add3A_260, %rem3A_251 : i32
      %mul3A_262 = arith.constant 16 : i32
      %mul3A_263 = arith.muli %select_n3A_261, %mul3A_262 : i32
      %swap3A_264 = arith.index_cast %select_n3A_245 : i32 to index
      %swap3A_265 = arith.index_cast %mul3A_263 : i32 to index
      %swap3A_266 = tpu.vector_load %arg18[%swap3A_264, %swap3A_265] {strides = array<i32>} : memref<40x128xf32, #tpu.memory_space<vmem>>, vector<1x16xf32>,
      %swap3A_267 = vector.shape_cast %swap3A_266 : vector<1x16xf32> to vector<16xf32>
      %swap3A_268 = vector.shape_cast %broadcast_in_dim3A_93 : vector<16xf32> to vector<1x16xf32>
      tpu.vector_store %arg18[%swap3A_264, %swap3A_265], %swap3A_268 {strides = array<i32>} : memref<40x128xf32, #tpu.memory_space<vmem>>, vector<1x16xf32>,
      %scan3A_269 = arith.constant 3 : i32
      %scan3A_270 = arith.addi %scan3A_133, %scan3A_269 : i32
      %jit3A_271 = arith.constant 8 : i32
      %div3A_272 = arith.divsi %scan3A_270, %jit3A_271 : i32
      %sign3A_273 = arith.constant 0 : i32
      %sign3A_274 = arith.cmpi sgt, %scan3A_270, %sign3A_273 : i32
      %sign3A_275 = arith.extui %sign3A_274 : i1 to i32
      %sign3A_276 = arith.constant 0 : i32
      %sign3A_277 = arith.cmpi slt, %scan3A_270, %sign3A_276 : i32
      %sign3A_278 = arith.extui %sign3A_277 : i1 to i32
      %sign3A_279 = arith.subi %sign3A_275, %sign3A_278 : i32
      %sign3A_280 = arith.constant 0 : i32
      %sign3A_281 = arith.cmpi sgt, %jit3A_271, %sign3A_280 : i32
      %sign3A_282 = arith.extui %sign3A_281 : i1 to i32
      %sign3A_283 = arith.constant 0 : i32
      %sign3A_284 = arith.cmpi slt, %jit3A_271, %sign3A_283 : i32
      %sign3A_285 = arith.extui %sign3A_284 : i1 to i32
      %sign3A_286 = arith.subi %sign3A_282, %sign3A_285 : i32
      %ne3A_287 = arith.cmpi ne, %sign3A_279, %sign3A_286 : i32
      %rem3A_288 = arith.remsi %scan3A_270, %jit3A_271 : i32
      %ne3A_289 = arith.constant 0 : i32
      %ne3A_290 = arith.cmpi ne, %rem3A_288, %ne3A_289 : i32
      %and3A_291 = arith.andi %ne3A_287, %ne3A_290 : i1
      %sub3A_292 = arith.constant 1 : i32
      %sub3A_293 = arith.subi %div3A_272, %sub3A_292 : i32
      %select_n3A_294 = arith.select %and3A_291, %sub3A_293, %div3A_272 : i32
      %jit3A_295 = arith.constant 8 : i32
      %eq3A_296 = arith.constant 0 : i32
      %eq3A_297 = arith.cmpi eq, %jit3A_295, %eq3A_296 : i32
      %jit3A_298 = arith.constant 1 : i32
      %select_n3A_299 = arith.select %eq3A_297, %jit3A_298, %jit3A_295 : i32
      %rem3A_300 = arith.remsi %scan3A_270, %select_n3A_299 : i32
      %ne3A_301 = arith.constant 0 : i32
      %ne3A_302 = arith.cmpi ne, %rem3A_300, %ne3A_301 : i32
      %lt3A_303 = arith.constant 0 : i32
      %lt3A_304 = arith.cmpi slt, %rem3A_300, %lt3A_303 : i32
      %lt3A_305 = arith.constant 0 : i32
      %lt3A_306 = arith.cmpi slt, %select_n3A_299, %lt3A_305 : i32
      %ne3A_307 = arith.xori %lt3A_304, %lt3A_306 : i1
      %and3A_308 = arith.andi %ne3A_307, %ne3A_302 : i1
      %add3A_309 = arith.addi %rem3A_300, %select_n3A_299 : i32
      %select_n3A_310 = arith.select %and3A_308, %add3A_309, %rem3A_300 : i32
      %mul3A_311 = arith.constant 16 : i32
      %mul3A_312 = arith.muli %select_n3A_310, %mul3A_311 : i32
      %swap3A_313 = arith.index_cast %select_n3A_294 : i32 to index
      %swap3A_314 = arith.index_cast %mul3A_312 : i32 to index
      %swap3A_315 = tpu.vector_load %arg18[%swap3A_313, %swap3A_314] {strides = array<i32>} : memref<40x128xf32, #tpu.memory_space<vmem>>, vector<1x16xf32>,
      %swap3A_316 = vector.shape_cast %swap3A_315 : vector<1x16xf32> to vector<16xf32>
      %swap3A_317 = vector.shape_cast %broadcast_in_dim3A_93 : vector<16xf32> to vector<1x16xf32>
      tpu.vector_store %arg18[%swap3A_313, %swap3A_314], %swap3A_317 {strides = array<i32>} : memref<40x128xf32, #tpu.memory_space<vmem>>, vector<1x16xf32>,
    }
    %scan3A_98 = arith.constant 320 : i32
    %scan3A_99 = arith.constant 0 : i32
    %scan3A_100 = arith.constant 0 : i32
    %scan3A_101 = arith.constant 8 : i32
    %scan3A_102 = arith.addi %scan3A_100, %scan3A_101 : i32
    %scan3A_103 = arith.constant 1 : i32
    scf.for %scan3A_133 = %scan3A_100 to %scan3A_102 step %scan3A_103  : i32 {
      %mul3A_134 = arith.constant 320 : i32
      %mul3A_135 = arith.muli %arg1, %mul3A_134 : i32
      %add3A_136 = arith.addi %mul3A_86, %mul3A_135 : i32
      %mul3A_137 = arith.constant 40 : i32
      %mul3A_138 = arith.muli %scan3A_133, %mul3A_137 : i32
      %add3A_139 = arith.addi %add3A_136, %mul3A_138 : i32
      "tpu.region"() ({
        %run_scoped3A = tpu.sem_alloc : memref<!tpu.dma_semaphore, #tpu.memory_space<semaphore_mem>>
        %dma_start3A_140 = arith.constant 0 : i32
        %dma_start3A_141 = tpu.memref_slice %arg19[%add3A_139, %dma_start3A_140] : memref<10240x128xf32, #tpu.memory_space<vmem_shared>> -> memref<40x128xf32, #tpu.memory_space<vmem_shared>>
        %dma_start3A_142 = arith.constant 0 : i32
        %dma_start3A_143 = tpu.memref_slice %arg19[%add3A_139, %dma_start3A_142] : memref<10240x128xf32, #tpu.memory_space<vmem_shared>> -> memref<40x128xf32, #tpu.memory_space<vmem_shared>>
        tpu.enqueue_dma source(%arg18 : memref<40x128xf32, #tpu.memory_space<vmem>>) target(%dma_start3A_143 : memref<40x128xf32, #tpu.memory_space<vmem_shared>>) target_semaphore(%run_scoped3A : memref<!tpu.dma_semaphore, #tpu.memory_space<semaphore_mem>>)
        %dma_wait3A_144 = arith.constant 0 : i32
        %dma_wait3A_145 = tpu.memref_slice %arg19[%add3A_139, %dma_wait3A_144] : memref<10240x128xf32, #tpu.memory_space<vmem_shared>> -> memref<40x128xf32, #tpu.memory_space<vmem_shared>>
        %dma_wait3A_146 = arith.constant 0 : i32
        %dma_wait3A_147 = tpu.memref_slice %arg19[%add3A_139, %dma_wait3A_146] : memref<10240x128xf32, #tpu.memory_space<vmem_shared>> -> memref<40x128xf32, #tpu.memory_space<vmem_shared>>
        tpu.wait_dma2 semaphore(%run_scoped3A : memref<!tpu.dma_semaphore, #tpu.memory_space<semaphore_mem>>) src(%arg18 : memref<40x128xf32, #tpu.memory_space<vmem>>) dst(%dma_wait3A_147 : memref<40x128xf32, #tpu.memory_space<vmem_shared>>)
        tpu.yield
      }) : () -> ()
    }
    %scan3A_104 = arith.constant 8 : i32
    %barrier3A = arith.constant 0 : index
    tpu.barrier barrier_id(%barrier3A)
    %scan3A_105 = arith.constant 0 : i32
    %scan3A_106 = arith.constant 0 : i32
    %scan3A_107 = arith.constant 42 : i32
    %scan3A_108 = arith.addi %scan3A_106, %scan3A_107 : i32
    %scan3A_109 = arith.constant 1 : i32
    scf.for %scan3A_133 = %scan3A_106 to %scan3A_108 step %scan3A_109  : i32 {
      %mul3A_134 = arith.constant 6 : i32
      %mul3A_135 = arith.muli %scan3A_133, %mul3A_134 : i32
      %add3A_136 = arith.constant 0 : i32
      %add3A_137 = arith.addi %mul3A_135, %add3A_136 : i32
      %lt3A = arith.constant 250 : i32
      %lt3A_138 = arith.cmpi slt, %add3A_137, %lt3A : i32
      %ge3A = arith.constant 6 : i32
      %ge3A_139 = arith.cmpi sge, %add3A_137, %ge3A : i32
      %and3A = arith.andi %lt3A_138, %ge3A_139 : i1
      %convert_element_type3A = arith.extui %and3A : i1 to i32
      %cond3A = arith.constant 0 : i32
      %cond3A_140 = arith.cmpi ne, %convert_element_type3A, %cond3A : i32
      scf.if %cond3A_140 {
        %dma_wait3A_303 = arith.constant 0 : i32
        %dma_wait3A_304 = arith.constant 0 : i32
        %dma_wait3A_305 = tpu.memref_slice %arg19[%dma_wait3A_303, %dma_wait3A_304] : memref<10240x128xf32, #tpu.memory_space<vmem_shared>> -> memref<10240x128xf32, #tpu.memory_space<vmem_shared>>
        tpu.wait_indirect_dma semaphore(%arg32 : memref<!tpu.dma_semaphore, #tpu.memory_space<semaphore_mem>>) src(%arg12 : memref<40x128xf32, #tpu.memory_space<vmem>>) dst(%dma_wait3A_305 : memref<10240x128xf32, #tpu.memory_space<vmem_shared>>)
      } else {
      }
      %lt3A_141 = arith.constant 250 : i32
      %lt3A_142 = arith.cmpi slt, %add3A_137, %lt3A_141 : i32
      %ge3A_143 = arith.constant 6 : i32
      %ge3A_144 = arith.cmpi sge, %add3A_137, %ge3A_143 : i32
      %and3A_145 = arith.andi %lt3A_142, %ge3A_144 : i1
      %convert_element_type3A_146 = arith.extui %and3A_145 : i1 to i32
      %cond3A_147 = arith.constant 0 : i32
      %cond3A_148 = arith.cmpi ne, %convert_element_type3A_146, %cond3A_147 : i32
      scf.if %cond3A_148 {
        %add3A_303 = arith.addi %mul3A_2, %add3A_137 : i32
        %mul3A_304 = arith.constant 40 : i32
        %mul3A_305 = arith.muli %add3A_303, %mul3A_304 : i32
        %add3A_306 = arith.constant 320000 : i32
        %add3A_307 = arith.addi %add3A_306, %mul3A_305 : i32
        %dma_start3A_308 = tpu.memref_slice %arg3[%add3A_307] : memref<640000xi32, #tpu.memory_space<hbm>> -> memref<40xi32, #tpu.memory_space<hbm>>
        %dma_start3A_309 = tpu.memref_slice %arg3[%add3A_307] : memref<640000xi32, #tpu.memory_space<hbm>> -> memref<40xi32, #tpu.memory_space<hbm>>
        tpu.enqueue_dma source(%dma_start3A_309 : memref<40xi32, #tpu.memory_space<hbm>>) target(%arg6 : memref<40xi32, #tpu.memory_space<vmem>>) target_semaphore(%arg20 : memref<!tpu.dma_semaphore, #tpu.memory_space<semaphore_mem>>)
        %mul3A_310 = arith.constant 40 : i32
        %mul3A_311 = arith.muli %add3A_137, %mul3A_310 : i32
        %dma_start3A_312 = tpu.memref_slice %arg5[%mul3A_311] : memref<10000xi32, #tpu.memory_space<vmem>> -> memref<40xi32, #tpu.memory_space<vmem>>
        %dma_start3A_313 = arith.constant 0 : i32
        %dma_start3A_314 = arith.constant 0 : i32
        %dma_start3A_315 = tpu.memref_slice %arg2[%dma_start3A_313, %dma_start3A_314] : memref<10240x128xf32, #tpu.memory_space<hbm>> -> memref<10240x128xf32, #tpu.memory_space<hbm>>
        tpu.enqueue_indirect_dma source(%dma_start3A_315 : memref<10240x128xf32, #tpu.memory_space<hbm>>) target(%arg12 : memref<40x128xf32, #tpu.memory_space<vmem>>) offsets(%dma_start3A_312 : memref<40xi32, #tpu.memory_space<vmem>>) semaphore(%arg26 : memref<!tpu.dma_semaphore, #tpu.memory_space<semaphore_mem>>)
      } else {
      }
      %mul3A_149 = arith.constant 6 : i32
      %mul3A_150 = arith.muli %scan3A_133, %mul3A_149 : i32
      %add3A_151 = arith.constant 1 : i32
      %add3A_152 = arith.addi %mul3A_150, %add3A_151 : i32
      %lt3A_153 = arith.constant 250 : i32
      %lt3A_154 = arith.cmpi slt, %add3A_152, %lt3A_153 : i32
      %ge3A_155 = arith.constant 6 : i32
      %ge3A_156 = arith.cmpi sge, %add3A_152, %ge3A_155 : i32
      %and3A_157 = arith.andi %lt3A_154, %ge3A_156 : i1
      %convert_element_type3A_158 = arith.extui %and3A_157 : i1 to i32
      %cond3A_159 = arith.constant 0 : i32
      %cond3A_160 = arith.cmpi ne, %convert_element_type3A_158, %cond3A_159 : i32
      scf.if %cond3A_160 {
        %dma_wait3A_303 = arith.constant 0 : i32
        %dma_wait3A_304 = arith.constant 0 : i32
        %dma_wait3A_305 = tpu.memref_slice %arg19[%dma_wait3A_303, %dma_wait3A_304] : memref<10240x128xf32, #tpu.memory_space<vmem_shared>> -> memref<10240x128xf32, #tpu.memory_space<vmem_shared>>
        tpu.wait_indirect_dma semaphore(%arg33 : memref<!tpu.dma_semaphore, #tpu.memory_space<semaphore_mem>>) src(%arg13 : memref<40x128xf32, #tpu.memory_space<vmem>>) dst(%dma_wait3A_305 : memref<10240x128xf32, #tpu.memory_space<vmem_shared>>)
      } else {
      }
      %lt3A_161 = arith.constant 250 : i32
      %lt3A_162 = arith.cmpi slt, %add3A_152, %lt3A_161 : i32
      %ge3A_163 = arith.constant 6 : i32
      %ge3A_164 = arith.cmpi sge, %add3A_152, %ge3A_163 : i32
      %and3A_165 = arith.andi %lt3A_162, %ge3A_164 : i1
      %convert_element_type3A_166 = arith.extui %and3A_165 : i1 to i32
      %cond3A_167 = arith.constant 0 : i32
      %cond3A_168 = arith.cmpi ne, %convert_element_type3A_166, %cond3A_167 : i32
      scf.if %cond3A_168 {
        %add3A_303 = arith.addi %mul3A_2, %add3A_152 : i32
        %mul3A_304 = arith.constant 40 : i32
        %mul3A_305 = arith.muli %add3A_303, %mul3A_304 : i32
        %add3A_306 = arith.constant 320000 : i32
        %add3A_307 = arith.addi %add3A_306, %mul3A_305 : i32
        %dma_start3A_308 = tpu.memref_slice %arg3[%add3A_307] : memref<640000xi32, #tpu.memory_space<hbm>> -> memref<40xi32, #tpu.memory_space<hbm>>
        %dma_start3A_309 = tpu.memref_slice %arg3[%add3A_307] : memref<640000xi32, #tpu.memory_space<hbm>> -> memref<40xi32, #tpu.memory_space<hbm>>
        tpu.enqueue_dma source(%dma_start3A_309 : memref<40xi32, #tpu.memory_space<hbm>>) target(%arg7 : memref<40xi32, #tpu.memory_space<vmem>>) target_semaphore(%arg21 : memref<!tpu.dma_semaphore, #tpu.memory_space<semaphore_mem>>)
        %mul3A_310 = arith.constant 40 : i32
        %mul3A_311 = arith.muli %add3A_152, %mul3A_310 : i32
        %dma_start3A_312 = tpu.memref_slice %arg5[%mul3A_311] : memref<10000xi32, #tpu.memory_space<vmem>> -> memref<40xi32, #tpu.memory_space<vmem>>
        %dma_start3A_313 = arith.constant 0 : i32
        %dma_start3A_314 = arith.constant 0 : i32
        %dma_start3A_315 = tpu.memref_slice %arg2[%dma_start3A_313, %dma_start3A_314] : memref<10240x128xf32, #tpu.memory_space<hbm>> -> memref<10240x128xf32, #tpu.memory_space<hbm>>
        tpu.enqueue_indirect_dma source(%dma_start3A_315 : memref<10240x128xf32, #tpu.memory_space<hbm>>) target(%arg13 : memref<40x128xf32, #tpu.memory_space<vmem>>) offsets(%dma_start3A_312 : memref<40xi32, #tpu.memory_space<vmem>>) semaphore(%arg27 : memref<!tpu.dma_semaphore, #tpu.memory_space<semaphore_mem>>)
      } else {
      }
      %mul3A_169 = arith.constant 6 : i32
      %mul3A_170 = arith.muli %scan3A_133, %mul3A_169 : i32
      %add3A_171 = arith.constant 2 : i32
      %add3A_172 = arith.addi %mul3A_170, %add3A_171 : i32
      %lt3A_173 = arith.constant 250 : i32
      %lt3A_174 = arith.cmpi slt, %add3A_172, %lt3A_173 : i32
      %ge3A_175 = arith.constant 6 : i32
      %ge3A_176 = arith.cmpi sge, %add3A_172, %ge3A_175 : i32
      %and3A_177 = arith.andi %lt3A_174, %ge3A_176 : i1
      %convert_element_type3A_178 = arith.extui %and3A_177 : i1 to i32
      %cond3A_179 = arith.constant 0 : i32
      %cond3A_180 = arith.cmpi ne, %convert_element_type3A_178, %cond3A_179 : i32
      scf.if %cond3A_180 {
        %dma_wait3A_303 = arith.constant 0 : i32
        %dma_wait3A_304 = arith.constant 0 : i32
        %dma_wait3A_305 = tpu.memref_slice %arg19[%dma_wait3A_303, %dma_wait3A_304] : memref<10240x128xf32, #tpu.memory_space<vmem_shared>> -> memref<10240x128xf32, #tpu.memory_space<vmem_shared>>
        tpu.wait_indirect_dma semaphore(%arg34 : memref<!tpu.dma_semaphore, #tpu.memory_space<semaphore_mem>>) src(%arg14 : memref<40x128xf32, #tpu.memory_space<vmem>>) dst(%dma_wait3A_305 : memref<10240x128xf32, #tpu.memory_space<vmem_shared>>)
      } else {
      }
      %lt3A_181 = arith.constant 250 : i32
      %lt3A_182 = arith.cmpi slt, %add3A_172, %lt3A_181 : i32
      %ge3A_183 = arith.constant 6 : i32
      %ge3A_184 = arith.cmpi sge, %add3A_172, %ge3A_183 : i32
      %and3A_185 = arith.andi %lt3A_182, %ge3A_184 : i1
      %convert_element_type3A_186 = arith.extui %and3A_185 : i1 to i32
      %cond3A_187 = arith.constant 0 : i32
      %cond3A_188 = arith.cmpi ne, %convert_element_type3A_186, %cond3A_187 : i32
      scf.if %cond3A_188 {
        %add3A_303 = arith.addi %mul3A_2, %add3A_172 : i32
        %mul3A_304 = arith.constant 40 : i32
        %mul3A_305 = arith.muli %add3A_303, %mul3A_304 : i32
        %add3A_306 = arith.constant 320000 : i32
        %add3A_307 = arith.addi %add3A_306, %mul3A_305 : i32
        %dma_start3A_308 = tpu.memref_slice %arg3[%add3A_307] : memref<640000xi32, #tpu.memory_space<hbm>> -> memref<40xi32, #tpu.memory_space<hbm>>
        %dma_start3A_309 = tpu.memref_slice %arg3[%add3A_307] : memref<640000xi32, #tpu.memory_space<hbm>> -> memref<40xi32, #tpu.memory_space<hbm>>
        tpu.enqueue_dma source(%dma_start3A_309 : memref<40xi32, #tpu.memory_space<hbm>>) target(%arg8 : memref<40xi32, #tpu.memory_space<vmem>>) target_semaphore(%arg22 : memref<!tpu.dma_semaphore, #tpu.memory_space<semaphore_mem>>)
        %mul3A_310 = arith.constant 40 : i32
        %mul3A_311 = arith.muli %add3A_172, %mul3A_310 : i32
        %dma_start3A_312 = tpu.memref_slice %arg5[%mul3A_311] : memref<10000xi32, #tpu.memory_space<vmem>> -> memref<40xi32, #tpu.memory_space<vmem>>
        %dma_start3A_313 = arith.constant 0 : i32
        %dma_start3A_314 = arith.constant 0 : i32
        %dma_start3A_315 = tpu.memref_slice %arg2[%dma_start3A_313, %dma_start3A_314] : memref<10240x128xf32, #tpu.memory_space<hbm>> -> memref<10240x128xf32, #tpu.memory_space<hbm>>
        tpu.enqueue_indirect_dma source(%dma_start3A_315 : memref<10240x128xf32, #tpu.memory_space<hbm>>) target(%arg14 : memref<40x128xf32, #tpu.memory_space<vmem>>) offsets(%dma_start3A_312 : memref<40xi32, #tpu.memory_space<vmem>>) semaphore(%arg28 : memref<!tpu.dma_semaphore, #tpu.memory_space<semaphore_mem>>)
      } else {
      }
      %mul3A_189 = arith.constant 6 : i32
      %mul3A_190 = arith.muli %scan3A_133, %mul3A_189 : i32
      %add3A_191 = arith.constant 3 : i32
      %add3A_192 = arith.addi %mul3A_190, %add3A_191 : i32
      %lt3A_193 = arith.constant 250 : i32
      %lt3A_194 = arith.cmpi slt, %add3A_192, %lt3A_193 : i32
      %ge3A_195 = arith.constant 6 : i32
      %ge3A_196 = arith.cmpi sge, %add3A_192, %ge3A_195 : i32
      %and3A_197 = arith.andi %lt3A_194, %ge3A_196 : i1
      %convert_element_type3A_198 = arith.extui %and3A_197 : i1 to i32
      %cond3A_199 = arith.constant 0 : i32
      %cond3A_200 = arith.cmpi ne, %convert_element_type3A_198, %cond3A_199 : i32
      scf.if %cond3A_200 {
        %dma_wait3A_303 = arith.constant 0 : i32
        %dma_wait3A_304 = arith.constant 0 : i32
        %dma_wait3A_305 = tpu.memref_slice %arg19[%dma_wait3A_303, %dma_wait3A_304] : memref<10240x128xf32, #tpu.memory_space<vmem_shared>> -> memref<10240x128xf32, #tpu.memory_space<vmem_shared>>
        tpu.wait_indirect_dma semaphore(%arg35 : memref<!tpu.dma_semaphore, #tpu.memory_space<semaphore_mem>>) src(%arg15 : memref<40x128xf32, #tpu.memory_space<vmem>>) dst(%dma_wait3A_305 : memref<10240x128xf32, #tpu.memory_space<vmem_shared>>)
      } else {
      }
      %lt3A_201 = arith.constant 250 : i32
      %lt3A_202 = arith.cmpi slt, %add3A_192, %lt3A_201 : i32
      %ge3A_203 = arith.constant 6 : i32
      %ge3A_204 = arith.cmpi sge, %add3A_192, %ge3A_203 : i32
      %and3A_205 = arith.andi %lt3A_202, %ge3A_204 : i1
      %convert_element_type3A_206 = arith.extui %and3A_205 : i1 to i32
      %cond3A_207 = arith.constant 0 : i32
      %cond3A_208 = arith.cmpi ne, %convert_element_type3A_206, %cond3A_207 : i32
      scf.if %cond3A_208 {
        %add3A_303 = arith.addi %mul3A_2, %add3A_192 : i32
        %mul3A_304 = arith.constant 40 : i32
        %mul3A_305 = arith.muli %add3A_303, %mul3A_304 : i32
        %add3A_306 = arith.constant 320000 : i32
        %add3A_307 = arith.addi %add3A_306, %mul3A_305 : i32
        %dma_start3A_308 = tpu.memref_slice %arg3[%add3A_307] : memref<640000xi32, #tpu.memory_space<hbm>> -> memref<40xi32, #tpu.memory_space<hbm>>
        %dma_start3A_309 = tpu.memref_slice %arg3[%add3A_307] : memref<640000xi32, #tpu.memory_space<hbm>> -> memref<40xi32, #tpu.memory_space<hbm>>
        tpu.enqueue_dma source(%dma_start3A_309 : memref<40xi32, #tpu.memory_space<hbm>>) target(%arg9 : memref<40xi32, #tpu.memory_space<vmem>>) target_semaphore(%arg23 : memref<!tpu.dma_semaphore, #tpu.memory_space<semaphore_mem>>)
        %mul3A_310 = arith.constant 40 : i32
        %mul3A_311 = arith.muli %add3A_192, %mul3A_310 : i32
        %dma_start3A_312 = tpu.memref_slice %arg5[%mul3A_311] : memref<10000xi32, #tpu.memory_space<vmem>> -> memref<40xi32, #tpu.memory_space<vmem>>
        %dma_start3A_313 = arith.constant 0 : i32
        %dma_start3A_314 = arith.constant 0 : i32
        %dma_start3A_315 = tpu.memref_slice %arg2[%dma_start3A_313, %dma_start3A_314] : memref<10240x128xf32, #tpu.memory_space<hbm>> -> memref<10240x128xf32, #tpu.memory_space<hbm>>
        tpu.enqueue_indirect_dma source(%dma_start3A_315 : memref<10240x128xf32, #tpu.memory_space<hbm>>) target(%arg15 : memref<40x128xf32, #tpu.memory_space<vmem>>) offsets(%dma_start3A_312 : memref<40xi32, #tpu.memory_space<vmem>>) semaphore(%arg29 : memref<!tpu.dma_semaphore, #tpu.memory_space<semaphore_mem>>)
      } else {
      }
      %mul3A_209 = arith.constant 6 : i32
      %mul3A_210 = arith.muli %scan3A_133, %mul3A_209 : i32
      %add3A_211 = arith.constant 4 : i32
      %add3A_212 = arith.addi %mul3A_210, %add3A_211 : i32
      %lt3A_213 = arith.constant 250 : i32
      %lt3A_214 = arith.cmpi slt, %add3A_212, %lt3A_213 : i32
      %ge3A_215 = arith.constant 6 : i32
      %ge3A_216 = arith.cmpi sge, %add3A_212, %ge3A_215 : i32
      %and3A_217 = arith.andi %lt3A_214, %ge3A_216 : i1
      %convert_element_type3A_218 = arith.extui %and3A_217 : i1 to i32
      %cond3A_219 = arith.constant 0 : i32
      %cond3A_220 = arith.cmpi ne, %convert_element_type3A_218, %cond3A_219 : i32
      scf.if %cond3A_220 {
        %dma_wait3A_303 = arith.constant 0 : i32
        %dma_wait3A_304 = arith.constant 0 : i32
        %dma_wait3A_305 = tpu.memref_slice %arg19[%dma_wait3A_303, %dma_wait3A_304] : memref<10240x128xf32, #tpu.memory_space<vmem_shared>> -> memref<10240x128xf32, #tpu.memory_space<vmem_shared>>
        tpu.wait_indirect_dma semaphore(%arg36 : memref<!tpu.dma_semaphore, #tpu.memory_space<semaphore_mem>>) src(%arg16 : memref<40x128xf32, #tpu.memory_space<vmem>>) dst(%dma_wait3A_305 : memref<10240x128xf32, #tpu.memory_space<vmem_shared>>)
      } else {
      }
      %lt3A_221 = arith.constant 250 : i32
      %lt3A_222 = arith.cmpi slt, %add3A_212, %lt3A_221 : i32
      %ge3A_223 = arith.constant 6 : i32
      %ge3A_224 = arith.cmpi sge, %add3A_212, %ge3A_223 : i32
      %and3A_225 = arith.andi %lt3A_222, %ge3A_224 : i1
      %convert_element_type3A_226 = arith.extui %and3A_225 : i1 to i32
      %cond3A_227 = arith.constant 0 : i32
      %cond3A_228 = arith.cmpi ne, %convert_element_type3A_226, %cond3A_227 : i32
      scf.if %cond3A_228 {
        %add3A_303 = arith.addi %mul3A_2, %add3A_212 : i32
        %mul3A_304 = arith.constant 40 : i32
        %mul3A_305 = arith.muli %add3A_303, %mul3A_304 : i32
        %add3A_306 = arith.constant 320000 : i32
        %add3A_307 = arith.addi %add3A_306, %mul3A_305 : i32
        %dma_start3A_308 = tpu.memref_slice %arg3[%add3A_307] : memref<640000xi32, #tpu.memory_space<hbm>> -> memref<40xi32, #tpu.memory_space<hbm>>
        %dma_start3A_309 = tpu.memref_slice %arg3[%add3A_307] : memref<640000xi32, #tpu.memory_space<hbm>> -> memref<40xi32, #tpu.memory_space<hbm>>
        tpu.enqueue_dma source(%dma_start3A_309 : memref<40xi32, #tpu.memory_space<hbm>>) target(%arg10 : memref<40xi32, #tpu.memory_space<vmem>>) target_semaphore(%arg24 : memref<!tpu.dma_semaphore, #tpu.memory_space<semaphore_mem>>)
        %mul3A_310 = arith.constant 40 : i32
        %mul3A_311 = arith.muli %add3A_212, %mul3A_310 : i32
        %dma_start3A_312 = tpu.memref_slice %arg5[%mul3A_311] : memref<10000xi32, #tpu.memory_space<vmem>> -> memref<40xi32, #tpu.memory_space<vmem>>
        %dma_start3A_313 = arith.constant 0 : i32
        %dma_start3A_314 = arith.constant 0 : i32
        %dma_start3A_315 = tpu.memref_slice %arg2[%dma_start3A_313, %dma_start3A_314] : memref<10240x128xf32, #tpu.memory_space<hbm>> -> memref<10240x128xf32, #tpu.memory_space<hbm>>
        tpu.enqueue_indirect_dma source(%dma_start3A_315 : memref<10240x128xf32, #tpu.memory_space<hbm>>) target(%arg16 : memref<40x128xf32, #tpu.memory_space<vmem>>) offsets(%dma_start3A_312 : memref<40xi32, #tpu.memory_space<vmem>>) semaphore(%arg30 : memref<!tpu.dma_semaphore, #tpu.memory_space<semaphore_mem>>)
      } else {
      }
      %mul3A_229 = arith.constant 6 : i32
      %mul3A_230 = arith.muli %scan3A_133, %mul3A_229 : i32
      %add3A_231 = arith.constant 5 : i32
      %add3A_232 = arith.addi %mul3A_230, %add3A_231 : i32
      %lt3A_233 = arith.constant 250 : i32
      %lt3A_234 = arith.cmpi slt, %add3A_232, %lt3A_233 : i32
      %ge3A_235 = arith.constant 6 : i32
      %ge3A_236 = arith.cmpi sge, %add3A_232, %ge3A_235 : i32
      %and3A_237 = arith.andi %lt3A_234, %ge3A_236 : i1
      %convert_element_type3A_238 = arith.extui %and3A_237 : i1 to i32
      %cond3A_239 = arith.constant 0 : i32
      %cond3A_240 = arith.cmpi ne, %convert_element_type3A_238, %cond3A_239 : i32
      scf.if %cond3A_240 {
        %dma_wait3A_303 = arith.constant 0 : i32
        %dma_wait3A_304 = arith.constant 0 : i32
        %dma_wait3A_305 = tpu.memref_slice %arg19[%dma_wait3A_303, %dma_wait3A_304] : memref<10240x128xf32, #tpu.memory_space<vmem_shared>> -> memref<10240x128xf32, #tpu.memory_space<vmem_shared>>
        tpu.wait_indirect_dma semaphore(%arg37 : memref<!tpu.dma_semaphore, #tpu.memory_space<semaphore_mem>>) src(%arg17 : memref<40x128xf32, #tpu.memory_space<vmem>>) dst(%dma_wait3A_305 : memref<10240x128xf32, #tpu.memory_space<vmem_shared>>)
      } else {
      }
      %lt3A_241 = arith.constant 250 : i32
      %lt3A_242 = arith.cmpi slt, %add3A_232, %lt3A_241 : i32
      %ge3A_243 = arith.constant 6 : i32
      %ge3A_244 = arith.cmpi sge, %add3A_232, %ge3A_243 : i32
      %and3A_245 = arith.andi %lt3A_242, %ge3A_244 : i1
      %convert_element_type3A_246 = arith.extui %and3A_245 : i1 to i32
      %cond3A_247 = arith.constant 0 : i32
      %cond3A_248 = arith.cmpi ne, %convert_element_type3A_246, %cond3A_247 : i32
      scf.if %cond3A_248 {
        %add3A_303 = arith.addi %mul3A_2, %add3A_232 : i32
        %mul3A_304 = arith.constant 40 : i32
        %mul3A_305 = arith.muli %add3A_303, %mul3A_304 : i32
        %add3A_306 = arith.constant 320000 : i32
        %add3A_307 = arith.addi %add3A_306, %mul3A_305 : i32
        %dma_start3A_308 = tpu.memref_slice %arg3[%add3A_307] : memref<640000xi32, #tpu.memory_space<hbm>> -> memref<40xi32, #tpu.memory_space<hbm>>
        %dma_start3A_309 = tpu.memref_slice %arg3[%add3A_307] : memref<640000xi32, #tpu.memory_space<hbm>> -> memref<40xi32, #tpu.memory_space<hbm>>
        tpu.enqueue_dma source(%dma_start3A_309 : memref<40xi32, #tpu.memory_space<hbm>>) target(%arg11 : memref<40xi32, #tpu.memory_space<vmem>>) target_semaphore(%arg25 : memref<!tpu.dma_semaphore, #tpu.memory_space<semaphore_mem>>)
        %mul3A_310 = arith.constant 40 : i32
        %mul3A_311 = arith.muli %add3A_232, %mul3A_310 : i32
        %dma_start3A_312 = tpu.memref_slice %arg5[%mul3A_311] : memref<10000xi32, #tpu.memory_space<vmem>> -> memref<40xi32, #tpu.memory_space<vmem>>
        %dma_start3A_313 = arith.constant 0 : i32
        %dma_start3A_314 = arith.constant 0 : i32
        %dma_start3A_315 = tpu.memref_slice %arg2[%dma_start3A_313, %dma_start3A_314] : memref<10240x128xf32, #tpu.memory_space<hbm>> -> memref<10240x128xf32, #tpu.memory_space<hbm>>
        tpu.enqueue_indirect_dma source(%dma_start3A_315 : memref<10240x128xf32, #tpu.memory_space<hbm>>) target(%arg17 : memref<40x128xf32, #tpu.memory_space<vmem>>) offsets(%dma_start3A_312 : memref<40xi32, #tpu.memory_space<vmem>>) semaphore(%arg31 : memref<!tpu.dma_semaphore, #tpu.memory_space<semaphore_mem>>)
      } else {
      }
      %mul3A_249 = arith.constant 6 : i32
      %mul3A_250 = arith.muli %scan3A_133, %mul3A_249 : i32
      %add3A_251 = arith.constant 0 : i32
      %add3A_252 = arith.addi %mul3A_250, %add3A_251 : i32
      %lt3A_253 = arith.constant 250 : i32
      %lt3A_254 = arith.cmpi slt, %add3A_252, %lt3A_253 : i32
      %convert_element_type3A_255 = arith.extui %lt3A_254 : i1 to i32
      %cond3A_256 = arith.constant 0 : i32
      %cond3A_257 = arith.cmpi ne, %convert_element_type3A_255, %cond3A_256 : i32
      scf.if %cond3A_257 {
        %dma_wait3A_303 = arith.constant 0 : i32
        %dma_wait3A_304 = tpu.memref_slice %arg5[%dma_wait3A_303] : memref<10000xi32, #tpu.memory_space<vmem>> -> memref<40xi32, #tpu.memory_space<vmem>>
        %dma_wait3A_305 = arith.constant 0 : i32
        %dma_wait3A_306 = arith.constant 0 : i32
        %dma_wait3A_307 = tpu.memref_slice %arg2[%dma_wait3A_305, %dma_wait3A_306] : memref<10240x128xf32, #tpu.memory_space<hbm>> -> memref<10240x128xf32, #tpu.memory_space<hbm>>
        tpu.wait_indirect_dma semaphore(%arg26 : memref<!tpu.dma_semaphore, #tpu.memory_space<semaphore_mem>>) src(%dma_wait3A_307 : memref<10240x128xf32, #tpu.memory_space<hbm>>) dst(%arg12 : memref<40x128xf32, #tpu.memory_space<vmem>>)
        %dma_wait3A_308 = arith.constant 0 : i32
        %dma_wait3A_309 = tpu.memref_slice %arg3[%dma_wait3A_308] : memref<640000xi32, #tpu.memory_space<hbm>> -> memref<40xi32, #tpu.memory_space<hbm>>
        %dma_wait3A_310 = arith.constant 0 : i32
        %dma_wait3A_311 = tpu.memref_slice %arg3[%dma_wait3A_310] : memref<640000xi32, #tpu.memory_space<hbm>> -> memref<40xi32, #tpu.memory_space<hbm>>
        tpu.wait_dma2 semaphore(%arg20 : memref<!tpu.dma_semaphore, #tpu.memory_space<semaphore_mem>>) src(%dma_wait3A_311 : memref<40xi32, #tpu.memory_space<hbm>>) dst(%arg6 : memref<40xi32, #tpu.memory_space<vmem>>)
        %dma_start3A_312 = arith.constant 0 : i32
        %dma_start3A_313 = arith.constant 0 : i32
        %dma_start3A_314 = tpu.memref_slice %arg19[%dma_start3A_312, %dma_start3A_313] : memref<10240x128xf32, #tpu.memory_space<vmem_shared>> -> memref<10240x128xf32, #tpu.memory_space<vmem_shared>>
        tpu.enqueue_indirect_dma source(%arg12 : memref<40x128xf32, #tpu.memory_space<vmem>>) target(%dma_start3A_314 : memref<10240x128xf32, #tpu.memory_space<vmem_shared>>) offsets(%arg6 : memref<40xi32, #tpu.memory_space<vmem>>) semaphore(%arg32 : memref<!tpu.dma_semaphore, #tpu.memory_space<semaphore_mem>>) {add = true}
      } else {
      }
      %mul3A_258 = arith.constant 6 : i32
      %mul3A_259 = arith.muli %scan3A_133, %mul3A_258 : i32
      %add3A_260 = arith.constant 1 : i32
      %add3A_261 = arith.addi %mul3A_259, %add3A_260 : i32
      %lt3A_262 = arith.constant 250 : i32
      %lt3A_263 = arith.cmpi slt, %add3A_261, %lt3A_262 : i32
      %convert_element_type3A_264 = arith.extui %lt3A_263 : i1 to i32
      %cond3A_265 = arith.constant 0 : i32
      %cond3A_266 = arith.cmpi ne, %convert_element_type3A_264, %cond3A_265 : i32
      scf.if %cond3A_266 {
        %dma_wait3A_303 = arith.constant 0 : i32
        %dma_wait3A_304 = tpu.memref_slice %arg5[%dma_wait3A_303] : memref<10000xi32, #tpu.memory_space<vmem>> -> memref<40xi32, #tpu.memory_space<vmem>>
        %dma_wait3A_305 = arith.constant 0 : i32
        %dma_wait3A_306 = arith.constant 0 : i32
        %dma_wait3A_307 = tpu.memref_slice %arg2[%dma_wait3A_305, %dma_wait3A_306] : memref<10240x128xf32, #tpu.memory_space<hbm>> -> memref<10240x128xf32, #tpu.memory_space<hbm>>
        tpu.wait_indirect_dma semaphore(%arg27 : memref<!tpu.dma_semaphore, #tpu.memory_space<semaphore_mem>>) src(%dma_wait3A_307 : memref<10240x128xf32, #tpu.memory_space<hbm>>) dst(%arg13 : memref<40x128xf32, #tpu.memory_space<vmem>>)
        %dma_wait3A_308 = arith.constant 0 : i32
        %dma_wait3A_309 = tpu.memref_slice %arg3[%dma_wait3A_308] : memref<640000xi32, #tpu.memory_space<hbm>> -> memref<40xi32, #tpu.memory_space<hbm>>
        %dma_wait3A_310 = arith.constant 0 : i32
        %dma_wait3A_311 = tpu.memref_slice %arg3[%dma_wait3A_310] : memref<640000xi32, #tpu.memory_space<hbm>> -> memref<40xi32, #tpu.memory_space<hbm>>
        tpu.wait_dma2 semaphore(%arg21 : memref<!tpu.dma_semaphore, #tpu.memory_space<semaphore_mem>>) src(%dma_wait3A_311 : memref<40xi32, #tpu.memory_space<hbm>>) dst(%arg7 : memref<40xi32, #tpu.memory_space<vmem>>)
        %dma_start3A_312 = arith.constant 0 : i32
        %dma_start3A_313 = arith.constant 0 : i32
        %dma_start3A_314 = tpu.memref_slice %arg19[%dma_start3A_312, %dma_start3A_313] : memref<10240x128xf32, #tpu.memory_space<vmem_shared>> -> memref<10240x128xf32, #tpu.memory_space<vmem_shared>>
        tpu.enqueue_indirect_dma source(%arg13 : memref<40x128xf32, #tpu.memory_space<vmem>>) target(%dma_start3A_314 : memref<10240x128xf32, #tpu.memory_space<vmem_shared>>) offsets(%arg7 : memref<40xi32, #tpu.memory_space<vmem>>) semaphore(%arg33 : memref<!tpu.dma_semaphore, #tpu.memory_space<semaphore_mem>>) {add = true}
      } else {
      }
      %mul3A_267 = arith.constant 6 : i32
      %mul3A_268 = arith.muli %scan3A_133, %mul3A_267 : i32
      %add3A_269 = arith.constant 2 : i32
      %add3A_270 = arith.addi %mul3A_268, %add3A_269 : i32
      %lt3A_271 = arith.constant 250 : i32
      %lt3A_272 = arith.cmpi slt, %add3A_270, %lt3A_271 : i32
      %convert_element_type3A_273 = arith.extui %lt3A_272 : i1 to i32
      %cond3A_274 = arith.constant 0 : i32
      %cond3A_275 = arith.cmpi ne, %convert_element_type3A_273, %cond3A_274 : i32
      scf.if %cond3A_275 {
        %dma_wait3A_303 = arith.constant 0 : i32
        %dma_wait3A_304 = tpu.memref_slice %arg5[%dma_wait3A_303] : memref<10000xi32, #tpu.memory_space<vmem>> -> memref<40xi32, #tpu.memory_space<vmem>>
        %dma_wait3A_305 = arith.constant 0 : i32
        %dma_wait3A_306 = arith.constant 0 : i32
        %dma_wait3A_307 = tpu.memref_slice %arg2[%dma_wait3A_305, %dma_wait3A_306] : memref<10240x128xf32, #tpu.memory_space<hbm>> -> memref<10240x128xf32, #tpu.memory_space<hbm>>
        tpu.wait_indirect_dma semaphore(%arg28 : memref<!tpu.dma_semaphore, #tpu.memory_space<semaphore_mem>>) src(%dma_wait3A_307 : memref<10240x128xf32, #tpu.memory_space<hbm>>) dst(%arg14 : memref<40x128xf32, #tpu.memory_space<vmem>>)
        %dma_wait3A_308 = arith.constant 0 : i32
        %dma_wait3A_309 = tpu.memref_slice %arg3[%dma_wait3A_308] : memref<640000xi32, #tpu.memory_space<hbm>> -> memref<40xi32, #tpu.memory_space<hbm>>
        %dma_wait3A_310 = arith.constant 0 : i32
        %dma_wait3A_311 = tpu.memref_slice %arg3[%dma_wait3A_310] : memref<640000xi32, #tpu.memory_space<hbm>> -> memref<40xi32, #tpu.memory_space<hbm>>
        tpu.wait_dma2 semaphore(%arg22 : memref<!tpu.dma_semaphore, #tpu.memory_space<semaphore_mem>>) src(%dma_wait3A_311 : memref<40xi32, #tpu.memory_space<hbm>>) dst(%arg8 : memref<40xi32, #tpu.memory_space<vmem>>)
        %dma_start3A_312 = arith.constant 0 : i32
        %dma_start3A_313 = arith.constant 0 : i32
        %dma_start3A_314 = tpu.memref_slice %arg19[%dma_start3A_312, %dma_start3A_313] : memref<10240x128xf32, #tpu.memory_space<vmem_shared>> -> memref<10240x128xf32, #tpu.memory_space<vmem_shared>>
        tpu.enqueue_indirect_dma source(%arg14 : memref<40x128xf32, #tpu.memory_space<vmem>>) target(%dma_start3A_314 : memref<10240x128xf32, #tpu.memory_space<vmem_shared>>) offsets(%arg8 : memref<40xi32, #tpu.memory_space<vmem>>) semaphore(%arg34 : memref<!tpu.dma_semaphore, #tpu.memory_space<semaphore_mem>>) {add = true}
      } else {
      }
      %mul3A_276 = arith.constant 6 : i32
      %mul3A_277 = arith.muli %scan3A_133, %mul3A_276 : i32
      %add3A_278 = arith.constant 3 : i32
      %add3A_279 = arith.addi %mul3A_277, %add3A_278 : i32
      %lt3A_280 = arith.constant 250 : i32
      %lt3A_281 = arith.cmpi slt, %add3A_279, %lt3A_280 : i32
      %convert_element_type3A_282 = arith.extui %lt3A_281 : i1 to i32
      %cond3A_283 = arith.constant 0 : i32
      %cond3A_284 = arith.cmpi ne, %convert_element_type3A_282, %cond3A_283 : i32
      scf.if %cond3A_284 {
        %dma_wait3A_303 = arith.constant 0 : i32
        %dma_wait3A_304 = tpu.memref_slice %arg5[%dma_wait3A_303] : memref<10000xi32, #tpu.memory_space<vmem>> -> memref<40xi32, #tpu.memory_space<vmem>>
        %dma_wait3A_305 = arith.constant 0 : i32
        %dma_wait3A_306 = arith.constant 0 : i32
        %dma_wait3A_307 = tpu.memref_slice %arg2[%dma_wait3A_305, %dma_wait3A_306] : memref<10240x128xf32, #tpu.memory_space<hbm>> -> memref<10240x128xf32, #tpu.memory_space<hbm>>
        tpu.wait_indirect_dma semaphore(%arg29 : memref<!tpu.dma_semaphore, #tpu.memory_space<semaphore_mem>>) src(%dma_wait3A_307 : memref<10240x128xf32, #tpu.memory_space<hbm>>) dst(%arg15 : memref<40x128xf32, #tpu.memory_space<vmem>>)
        %dma_wait3A_308 = arith.constant 0 : i32
        %dma_wait3A_309 = tpu.memref_slice %arg3[%dma_wait3A_308] : memref<640000xi32, #tpu.memory_space<hbm>> -> memref<40xi32, #tpu.memory_space<hbm>>
        %dma_wait3A_310 = arith.constant 0 : i32
        %dma_wait3A_311 = tpu.memref_slice %arg3[%dma_wait3A_310] : memref<640000xi32, #tpu.memory_space<hbm>> -> memref<40xi32, #tpu.memory_space<hbm>>
        tpu.wait_dma2 semaphore(%arg23 : memref<!tpu.dma_semaphore, #tpu.memory_space<semaphore_mem>>) src(%dma_wait3A_311 : memref<40xi32, #tpu.memory_space<hbm>>) dst(%arg9 : memref<40xi32, #tpu.memory_space<vmem>>)
        %dma_start3A_312 = arith.constant 0 : i32
        %dma_start3A_313 = arith.constant 0 : i32
        %dma_start3A_314 = tpu.memref_slice %arg19[%dma_start3A_312, %dma_start3A_313] : memref<10240x128xf32, #tpu.memory_space<vmem_shared>> -> memref<10240x128xf32, #tpu.memory_space<vmem_shared>>
        tpu.enqueue_indirect_dma source(%arg15 : memref<40x128xf32, #tpu.memory_space<vmem>>) target(%dma_start3A_314 : memref<10240x128xf32, #tpu.memory_space<vmem_shared>>) offsets(%arg9 : memref<40xi32, #tpu.memory_space<vmem>>) semaphore(%arg35 : memref<!tpu.dma_semaphore, #tpu.memory_space<semaphore_mem>>) {add = true}
      } else {
      }
      %mul3A_285 = arith.constant 6 : i32
      %mul3A_286 = arith.muli %scan3A_133, %mul3A_285 : i32
      %add3A_287 = arith.constant 4 : i32
      %add3A_288 = arith.addi %mul3A_286, %add3A_287 : i32
      %lt3A_289 = arith.constant 250 : i32
      %lt3A_290 = arith.cmpi slt, %add3A_288, %lt3A_289 : i32
      %convert_element_type3A_291 = arith.extui %lt3A_290 : i1 to i32
      %cond3A_292 = arith.constant 0 : i32
      %cond3A_293 = arith.cmpi ne, %convert_element_type3A_291, %cond3A_292 : i32
      scf.if %cond3A_293 {
        %dma_wait3A_303 = arith.constant 0 : i32
        %dma_wait3A_304 = tpu.memref_slice %arg5[%dma_wait3A_303] : memref<10000xi32, #tpu.memory_space<vmem>> -> memref<40xi32, #tpu.memory_space<vmem>>
        %dma_wait3A_305 = arith.constant 0 : i32
        %dma_wait3A_306 = arith.constant 0 : i32
        %dma_wait3A_307 = tpu.memref_slice %arg2[%dma_wait3A_305, %dma_wait3A_306] : memref<10240x128xf32, #tpu.memory_space<hbm>> -> memref<10240x128xf32, #tpu.memory_space<hbm>>
        tpu.wait_indirect_dma semaphore(%arg30 : memref<!tpu.dma_semaphore, #tpu.memory_space<semaphore_mem>>) src(%dma_wait3A_307 : memref<10240x128xf32, #tpu.memory_space<hbm>>) dst(%arg16 : memref<40x128xf32, #tpu.memory_space<vmem>>)
        %dma_wait3A_308 = arith.constant 0 : i32
        %dma_wait3A_309 = tpu.memref_slice %arg3[%dma_wait3A_308] : memref<640000xi32, #tpu.memory_space<hbm>> -> memref<40xi32, #tpu.memory_space<hbm>>
        %dma_wait3A_310 = arith.constant 0 : i32
        %dma_wait3A_311 = tpu.memref_slice %arg3[%dma_wait3A_310] : memref<640000xi32, #tpu.memory_space<hbm>> -> memref<40xi32, #tpu.memory_space<hbm>>
        tpu.wait_dma2 semaphore(%arg24 : memref<!tpu.dma_semaphore, #tpu.memory_space<semaphore_mem>>) src(%dma_wait3A_311 : memref<40xi32, #tpu.memory_space<hbm>>) dst(%arg10 : memref<40xi32, #tpu.memory_space<vmem>>)
        %dma_start3A_312 = arith.constant 0 : i32
        %dma_start3A_313 = arith.constant 0 : i32
        %dma_start3A_314 = tpu.memref_slice %arg19[%dma_start3A_312, %dma_start3A_313] : memref<10240x128xf32, #tpu.memory_space<vmem_shared>> -> memref<10240x128xf32, #tpu.memory_space<vmem_shared>>
        tpu.enqueue_indirect_dma source(%arg16 : memref<40x128xf32, #tpu.memory_space<vmem>>) target(%dma_start3A_314 : memref<10240x128xf32, #tpu.memory_space<vmem_shared>>) offsets(%arg10 : memref<40xi32, #tpu.memory_space<vmem>>) semaphore(%arg36 : memref<!tpu.dma_semaphore, #tpu.memory_space<semaphore_mem>>) {add = true}
      } else {
      }
      %mul3A_294 = arith.constant 6 : i32
      %mul3A_295 = arith.muli %scan3A_133, %mul3A_294 : i32
      %add3A_296 = arith.constant 5 : i32
      %add3A_297 = arith.addi %mul3A_295, %add3A_296 : i32
      %lt3A_298 = arith.constant 250 : i32
      %lt3A_299 = arith.cmpi slt, %add3A_297, %lt3A_298 : i32
      %convert_element_type3A_300 = arith.extui %lt3A_299 : i1 to i32
      %cond3A_301 = arith.constant 0 : i32
      %cond3A_302 = arith.cmpi ne, %convert_element_type3A_300, %cond3A_301 : i32
      scf.if %cond3A_302 {
        %dma_wait3A_303 = arith.constant 0 : i32
        %dma_wait3A_304 = tpu.memref_slice %arg5[%dma_wait3A_303] : memref<10000xi32, #tpu.memory_space<vmem>> -> memref<40xi32, #tpu.memory_space<vmem>>
        %dma_wait3A_305 = arith.constant 0 : i32
        %dma_wait3A_306 = arith.constant 0 : i32
        %dma_wait3A_307 = tpu.memref_slice %arg2[%dma_wait3A_305, %dma_wait3A_306] : memref<10240x128xf32, #tpu.memory_space<hbm>> -> memref<10240x128xf32, #tpu.memory_space<hbm>>
        tpu.wait_indirect_dma semaphore(%arg31 : memref<!tpu.dma_semaphore, #tpu.memory_space<semaphore_mem>>) src(%dma_wait3A_307 : memref<10240x128xf32, #tpu.memory_space<hbm>>) dst(%arg17 : memref<40x128xf32, #tpu.memory_space<vmem>>)
        %dma_wait3A_308 = arith.constant 0 : i32
        %dma_wait3A_309 = tpu.memref_slice %arg3[%dma_wait3A_308] : memref<640000xi32, #tpu.memory_space<hbm>> -> memref<40xi32, #tpu.memory_space<hbm>>
        %dma_wait3A_310 = arith.constant 0 : i32
        %dma_wait3A_311 = tpu.memref_slice %arg3[%dma_wait3A_310] : memref<640000xi32, #tpu.memory_space<hbm>> -> memref<40xi32, #tpu.memory_space<hbm>>
        tpu.wait_dma2 semaphore(%arg25 : memref<!tpu.dma_semaphore, #tpu.memory_space<semaphore_mem>>) src(%dma_wait3A_311 : memref<40xi32, #tpu.memory_space<hbm>>) dst(%arg11 : memref<40xi32, #tpu.memory_space<vmem>>)
        %dma_start3A_312 = arith.constant 0 : i32
        %dma_start3A_313 = arith.constant 0 : i32
        %dma_start3A_314 = tpu.memref_slice %arg19[%dma_start3A_312, %dma_start3A_313] : memref<10240x128xf32, #tpu.memory_space<vmem_shared>> -> memref<10240x128xf32, #tpu.memory_space<vmem_shared>>
        tpu.enqueue_indirect_dma source(%arg17 : memref<40x128xf32, #tpu.memory_space<vmem>>) target(%dma_start3A_314 : memref<10240x128xf32, #tpu.memory_space<vmem_shared>>) offsets(%arg11 : memref<40xi32, #tpu.memory_space<vmem>>) semaphore(%arg37 : memref<!tpu.dma_semaphore, #tpu.memory_space<semaphore_mem>>) {add = true}
      } else {
      }
    }
    %scan3A_110 = arith.constant 42 : i32
    %dma_wait3A = arith.constant 0 : i32
    %dma_wait3A_111 = arith.constant 0 : i32
    %dma_wait3A_112 = tpu.memref_slice %arg19[%dma_wait3A, %dma_wait3A_111] : memref<10240x128xf32, #tpu.memory_space<vmem_shared>> -> memref<10240x128xf32, #tpu.memory_space<vmem_shared>>
    tpu.wait_indirect_dma semaphore(%arg32 : memref<!tpu.dma_semaphore, #tpu.memory_space<semaphore_mem>>) src(%arg12 : memref<40x128xf32, #tpu.memory_space<vmem>>) dst(%dma_wait3A_112 : memref<10240x128xf32, #tpu.memory_space<vmem_shared>>)
    %dma_wait3A_113 = arith.constant 0 : i32
    %dma_wait3A_114 = arith.constant 0 : i32
    %dma_wait3A_115 = tpu.memref_slice %arg19[%dma_wait3A_113, %dma_wait3A_114] : memref<10240x128xf32, #tpu.memory_space<vmem_shared>> -> memref<10240x128xf32, #tpu.memory_space<vmem_shared>>
    tpu.wait_indirect_dma semaphore(%arg33 : memref<!tpu.dma_semaphore, #tpu.memory_space<semaphore_mem>>) src(%arg13 : memref<40x128xf32, #tpu.memory_space<vmem>>) dst(%dma_wait3A_115 : memref<10240x128xf32, #tpu.memory_space<vmem_shared>>)
    %dma_wait3A_116 = arith.constant 0 : i32
    %dma_wait3A_117 = arith.constant 0 : i32
    %dma_wait3A_118 = tpu.memref_slice %arg19[%dma_wait3A_116, %dma_wait3A_117] : memref<10240x128xf32, #tpu.memory_space<vmem_shared>> -> memref<10240x128xf32, #tpu.memory_space<vmem_shared>>
    tpu.wait_indirect_dma semaphore(%arg34 : memref<!tpu.dma_semaphore, #tpu.memory_space<semaphore_mem>>) src(%arg14 : memref<40x128xf32, #tpu.memory_space<vmem>>) dst(%dma_wait3A_118 : memref<10240x128xf32, #tpu.memory_space<vmem_shared>>)
    %dma_wait3A_119 = arith.constant 0 : i32
    %dma_wait3A_120 = arith.constant 0 : i32
    %dma_wait3A_121 = tpu.memref_slice %arg19[%dma_wait3A_119, %dma_wait3A_120] : memref<10240x128xf32, #tpu.memory_space<vmem_shared>> -> memref<10240x128xf32, #tpu.memory_space<vmem_shared>>
    tpu.wait_indirect_dma semaphore(%arg35 : memref<!tpu.dma_semaphore, #tpu.memory_space<semaphore_mem>>) src(%arg15 : memref<40x128xf32, #tpu.memory_space<vmem>>) dst(%dma_wait3A_121 : memref<10240x128xf32, #tpu.memory_space<vmem_shared>>)
    %dma_wait3A_122 = arith.constant 0 : i32
    %dma_wait3A_123 = arith.constant 0 : i32
    %dma_wait3A_124 = tpu.memref_slice %arg19[%dma_wait3A_122, %dma_wait3A_123] : memref<10240x128xf32, #tpu.memory_space<vmem_shared>> -> memref<10240x128xf32, #tpu.memory_space<vmem_shared>>
    tpu.wait_indirect_dma semaphore(%arg36 : memref<!tpu.dma_semaphore, #tpu.memory_space<semaphore_mem>>) src(%arg16 : memref<40x128xf32, #tpu.memory_space<vmem>>) dst(%dma_wait3A_124 : memref<10240x128xf32, #tpu.memory_space<vmem_shared>>)
    %dma_wait3A_125 = arith.constant 0 : i32
    %dma_wait3A_126 = arith.constant 0 : i32
    %dma_wait3A_127 = tpu.memref_slice %arg19[%dma_wait3A_125, %dma_wait3A_126] : memref<10240x128xf32, #tpu.memory_space<vmem_shared>> -> memref<10240x128xf32, #tpu.memory_space<vmem_shared>>
    tpu.wait_indirect_dma semaphore(%arg37 : memref<!tpu.dma_semaphore, #tpu.memory_space<semaphore_mem>>) src(%arg17 : memref<40x128xf32, #tpu.memory_space<vmem>>) dst(%dma_wait3A_127 : memref<10240x128xf32, #tpu.memory_space<vmem_shared>>)
    %barrier3A_128 = arith.constant 0 : index
    tpu.barrier barrier_id(%barrier3A_128)
    %mul3A_129 = arith.constant 640 : i32
    %mul3A_130 = arith.muli %arg1, %mul3A_129 : i32
    %mul3A_131 = arith.constant 640 : i32
    %mul3A_132 = arith.muli %arg1, %mul3A_131 : i32
    "tpu.region"() ({
      %run_scoped3A = tpu.sem_alloc : memref<!tpu.dma_semaphore, #tpu.memory_space<semaphore_mem>>
      %dma_start3A_133 = arith.constant 0 : i32
      %dma_start3A_134 = tpu.memref_slice %arg4[%arg0, %mul3A_132, %dma_start3A_133] : memref<2x10240x128xf32, #tpu.memory_space<hbm>> -> memref<1x640x128xf32, #tpu.memory_space<hbm>>
      %dma_start3A_135 = tpu.memref_squeeze %dma_start3A_134 : memref<1x640x128xf32, #tpu.memory_space<hbm>> -> memref<640x128xf32, #tpu.memory_space<hbm>>
      %dma_start3A_136 = arith.constant 0 : i32
      %dma_start3A_137 = tpu.memref_slice %arg19[%mul3A_130, %dma_start3A_136] : memref<10240x128xf32, #tpu.memory_space<vmem_shared>> -> memref<640x128xf32, #tpu.memory_space<vmem_shared>>
      tpu.enqueue_dma source(%dma_start3A_137 : memref<640x128xf32, #tpu.memory_space<vmem_shared>>) target(%dma_start3A_135 : memref<640x128xf32, #tpu.memory_space<hbm>>) target_semaphore(%run_scoped3A : memref<!tpu.dma_semaphore, #tpu.memory_space<semaphore_mem>>)
      %dma_wait3A_138 = arith.constant 0 : i32
      %dma_wait3A_139 = tpu.memref_slice %arg4[%arg0, %mul3A_132, %dma_wait3A_138] : memref<2x10240x128xf32, #tpu.memory_space<hbm>> -> memref<1x640x128xf32, #tpu.memory_space<hbm>>
      %dma_wait3A_140 = tpu.memref_squeeze %dma_wait3A_139 : memref<1x640x128xf32, #tpu.memory_space<hbm>> -> memref<640x128xf32, #tpu.memory_space<hbm>>
      %dma_wait3A_141 = arith.constant 0 : i32
      %dma_wait3A_142 = tpu.memref_slice %arg19[%mul3A_130, %dma_wait3A_141] : memref<10240x128xf32, #tpu.memory_space<vmem_shared>> -> memref<640x128xf32, #tpu.memory_space<vmem_shared>>
      tpu.wait_dma2 semaphore(%run_scoped3A : memref<!tpu.dma_semaphore, #tpu.memory_space<semaphore_mem>>) src(%dma_wait3A_142 : memref<640x128xf32, #tpu.memory_space<vmem_shared>>) dst(%dma_wait3A_140 : memref<640x128xf32, #tpu.memory_space<hbm>>)
      tpu.yield
    }) : () -> ()
    return
  }
}

#map = affine_map<(d0, d1) -> (0)>
module attributes {stable_mosaic.version = 14 : i64} {
  func.func @_deg_kernel(%arg0: i32, %arg1: i32, %arg2: memref<640000xi32, #tpu.memory_space<hbm>>, %arg3: memref<320000xf32, #tpu.memory_space<hbm>>, %arg4: memref<10000xi32, #tpu.memory_space<vmem>>, %arg5: memref<10000xf32, #tpu.memory_space<vmem>>) attributes {dimension_semantics = [#tpu.dimension_semantics<core_parallel>, #tpu.dimension_semantics<subcore_parallel>], iteration_bounds = array<i64: 2, 16>, scalar_prefetch = 0 : i64, scratch_operands = 2 : i64, tpu.core_type = #tpu.core_type<sc_vector_subcore>, window_params = [{transform_indices = #map}, {transform_indices = #map}]} {
    %mul3A = arith.constant 2 : i32
    %mul3A_0 = arith.muli %arg1, %mul3A : i32
    %add3A = arith.addi %mul3A_0, %arg0 : i32
    %mul3A_1 = arith.constant 10000 : i32
    %mul3A_2 = arith.muli %add3A, %mul3A_1 : i32
    "tpu.region"() ({
      %run_scoped3A = tpu.sem_alloc : memref<!tpu.dma_semaphore, #tpu.memory_space<semaphore_mem>>
      %dma_start3A = tpu.memref_slice %arg2[%mul3A_2] : memref<640000xi32, #tpu.memory_space<hbm>> -> memref<10000xi32, #tpu.memory_space<hbm>>
      %dma_start3A_29 = tpu.memref_slice %arg2[%mul3A_2] : memref<640000xi32, #tpu.memory_space<hbm>> -> memref<10000xi32, #tpu.memory_space<hbm>>
      tpu.enqueue_dma source(%dma_start3A_29 : memref<10000xi32, #tpu.memory_space<hbm>>) target(%arg4 : memref<10000xi32, #tpu.memory_space<vmem>>) target_semaphore(%run_scoped3A : memref<!tpu.dma_semaphore, #tpu.memory_space<semaphore_mem>>)
      %dma_wait3A = tpu.memref_slice %arg2[%mul3A_2] : memref<640000xi32, #tpu.memory_space<hbm>> -> memref<10000xi32, #tpu.memory_space<hbm>>
      %dma_wait3A_30 = tpu.memref_slice %arg2[%mul3A_2] : memref<640000xi32, #tpu.memory_space<hbm>> -> memref<10000xi32, #tpu.memory_space<hbm>>
      tpu.wait_dma2 semaphore(%run_scoped3A : memref<!tpu.dma_semaphore, #tpu.memory_space<semaphore_mem>>) src(%dma_wait3A_30 : memref<10000xi32, #tpu.memory_space<hbm>>) dst(%arg4 : memref<10000xi32, #tpu.memory_space<vmem>>)
      tpu.yield
    }) : () -> ()
    %broadcast_in_dim3A = arith.constant 0.000000e+00 : f32
    %broadcast_in_dim3A_3 = vector.broadcast %broadcast_in_dim3A : f32 to vector<16xf32>
    %scan3A = arith.constant 0 : i32
    %scan3A_4 = arith.constant 0 : i32
    %scan3A_5 = arith.constant 624 : i32
    %scan3A_6 = arith.addi %scan3A_4, %scan3A_5 : i32
    %scan3A_7 = arith.constant 4 : i32
    scf.for %scan3A_29 = %scan3A_4 to %scan3A_6 step %scan3A_7  : i32 {
      %mul3A_30 = arith.constant 16 : i32
      %mul3A_31 = arith.muli %scan3A_29, %mul3A_30 : i32
      %swap3A_32 = arith.index_cast %mul3A_31 : i32 to index
      %swap3A_33 = tpu.vector_load %arg5[%swap3A_32] {strides = array<i32>} : memref<10000xf32, #tpu.memory_space<vmem>>, vector<16xf32>,
      tpu.vector_store %arg5[%swap3A_32], %broadcast_in_dim3A_3 {strides = array<i32>} : memref<10000xf32, #tpu.memory_space<vmem>>, vector<16xf32>,
      %scan3A_34 = arith.constant 1 : i32
      %scan3A_35 = arith.addi %scan3A_29, %scan3A_34 : i32
      %mul3A_36 = arith.constant 16 : i32
      %mul3A_37 = arith.muli %scan3A_35, %mul3A_36 : i32
      %swap3A_38 = arith.index_cast %mul3A_37 : i32 to index
      %swap3A_39 = tpu.vector_load %arg5[%swap3A_38] {strides = array<i32>} : memref<10000xf32, #tpu.memory_space<vmem>>, vector<16xf32>,
      tpu.vector_store %arg5[%swap3A_38], %broadcast_in_dim3A_3 {strides = array<i32>} : memref<10000xf32, #tpu.memory_space<vmem>>, vector<16xf32>,
      %scan3A_40 = arith.constant 2 : i32
      %scan3A_41 = arith.addi %scan3A_29, %scan3A_40 : i32
      %mul3A_42 = arith.constant 16 : i32
      %mul3A_43 = arith.muli %scan3A_41, %mul3A_42 : i32
      %swap3A_44 = arith.index_cast %mul3A_43 : i32 to index
      %swap3A_45 = tpu.vector_load %arg5[%swap3A_44] {strides = array<i32>} : memref<10000xf32, #tpu.memory_space<vmem>>, vector<16xf32>,
      tpu.vector_store %arg5[%swap3A_44], %broadcast_in_dim3A_3 {strides = array<i32>} : memref<10000xf32, #tpu.memory_space<vmem>>, vector<16xf32>,
      %scan3A_46 = arith.constant 3 : i32
      %scan3A_47 = arith.addi %scan3A_29, %scan3A_46 : i32
      %mul3A_48 = arith.constant 16 : i32
      %mul3A_49 = arith.muli %scan3A_47, %mul3A_48 : i32
      %swap3A_50 = arith.index_cast %mul3A_49 : i32 to index
      %swap3A_51 = tpu.vector_load %arg5[%swap3A_50] {strides = array<i32>} : memref<10000xf32, #tpu.memory_space<vmem>>, vector<16xf32>,
      tpu.vector_store %arg5[%swap3A_50], %broadcast_in_dim3A_3 {strides = array<i32>} : memref<10000xf32, #tpu.memory_space<vmem>>, vector<16xf32>,
    }
    %scan3A_8 = arith.constant 624 : i32
    %scan3A_9 = arith.addi %scan3A_4, %scan3A_8 : i32
    %mul3A_10 = arith.constant 16 : i32
    %mul3A_11 = arith.muli %scan3A_9, %mul3A_10 : i32
    %swap3A = arith.index_cast %mul3A_11 : i32 to index
    %swap3A_12 = tpu.vector_load %arg5[%swap3A] {strides = array<i32>} : memref<10000xf32, #tpu.memory_space<vmem>>, vector<16xf32>,
    tpu.vector_store %arg5[%swap3A], %broadcast_in_dim3A_3 {strides = array<i32>} : memref<10000xf32, #tpu.memory_space<vmem>>, vector<16xf32>,
    %scan3A_13 = arith.constant 625 : i32
    %broadcast_in_dim3A_14 = arith.constant 1.000000e+00 : f32
    %broadcast_in_dim3A_15 = vector.broadcast %broadcast_in_dim3A_14 : f32 to vector<16xf32>
    %scan3A_16 = arith.constant 0 : i32
    %scan3A_17 = arith.constant 0 : i32
    %scan3A_18 = arith.constant 624 : i32
    %scan3A_19 = arith.addi %scan3A_17, %scan3A_18 : i32
    %scan3A_20 = arith.constant 8 : i32
    scf.for %scan3A_29 = %scan3A_17 to %scan3A_19 step %scan3A_20  : i32 {
      %mul3A_30 = arith.constant 16 : i32
      %mul3A_31 = arith.muli %scan3A_29, %mul3A_30 : i32
      %get3A_32 = arith.index_cast %mul3A_31 : i32 to index
      %get3A_33 = tpu.vector_load %arg4[%get3A_32] {strides = array<i32>} : memref<10000xi32, #tpu.memory_space<vmem>>, vector<16xi32>,
      tpu.vector_store_idx %arg5[%get3A_33], %broadcast_in_dim3A_15 {add = true} : memref<10000xf32, #tpu.memory_space<vmem>>[vector<16xi32>], vector<16xf32>,
      %scan3A_34 = arith.constant 1 : i32
      %scan3A_35 = arith.addi %scan3A_29, %scan3A_34 : i32
      %mul3A_36 = arith.constant 16 : i32
      %mul3A_37 = arith.muli %scan3A_35, %mul3A_36 : i32
      %get3A_38 = arith.index_cast %mul3A_37 : i32 to index
      %get3A_39 = tpu.vector_load %arg4[%get3A_38] {strides = array<i32>} : memref<10000xi32, #tpu.memory_space<vmem>>, vector<16xi32>,
      tpu.vector_store_idx %arg5[%get3A_39], %broadcast_in_dim3A_15 {add = true} : memref<10000xf32, #tpu.memory_space<vmem>>[vector<16xi32>], vector<16xf32>,
      %scan3A_40 = arith.constant 2 : i32
      %scan3A_41 = arith.addi %scan3A_29, %scan3A_40 : i32
      %mul3A_42 = arith.constant 16 : i32
      %mul3A_43 = arith.muli %scan3A_41, %mul3A_42 : i32
      %get3A_44 = arith.index_cast %mul3A_43 : i32 to index
      %get3A_45 = tpu.vector_load %arg4[%get3A_44] {strides = array<i32>} : memref<10000xi32, #tpu.memory_space<vmem>>, vector<16xi32>,
      tpu.vector_store_idx %arg5[%get3A_45], %broadcast_in_dim3A_15 {add = true} : memref<10000xf32, #tpu.memory_space<vmem>>[vector<16xi32>], vector<16xf32>,
      %scan3A_46 = arith.constant 3 : i32
      %scan3A_47 = arith.addi %scan3A_29, %scan3A_46 : i32
      %mul3A_48 = arith.constant 16 : i32
      %mul3A_49 = arith.muli %scan3A_47, %mul3A_48 : i32
      %get3A_50 = arith.index_cast %mul3A_49 : i32 to index
      %get3A_51 = tpu.vector_load %arg4[%get3A_50] {strides = array<i32>} : memref<10000xi32, #tpu.memory_space<vmem>>, vector<16xi32>,
      tpu.vector_store_idx %arg5[%get3A_51], %broadcast_in_dim3A_15 {add = true} : memref<10000xf32, #tpu.memory_space<vmem>>[vector<16xi32>], vector<16xf32>,
      %scan3A_52 = arith.constant 4 : i32
      %scan3A_53 = arith.addi %scan3A_29, %scan3A_52 : i32
      %mul3A_54 = arith.constant 16 : i32
      %mul3A_55 = arith.muli %scan3A_53, %mul3A_54 : i32
      %get3A_56 = arith.index_cast %mul3A_55 : i32 to index
      %get3A_57 = tpu.vector_load %arg4[%get3A_56] {strides = array<i32>} : memref<10000xi32, #tpu.memory_space<vmem>>, vector<16xi32>,
      tpu.vector_store_idx %arg5[%get3A_57], %broadcast_in_dim3A_15 {add = true} : memref<10000xf32, #tpu.memory_space<vmem>>[vector<16xi32>], vector<16xf32>,
      %scan3A_58 = arith.constant 5 : i32
      %scan3A_59 = arith.addi %scan3A_29, %scan3A_58 : i32
      %mul3A_60 = arith.constant 16 : i32
      %mul3A_61 = arith.muli %scan3A_59, %mul3A_60 : i32
      %get3A_62 = arith.index_cast %mul3A_61 : i32 to index
      %get3A_63 = tpu.vector_load %arg4[%get3A_62] {strides = array<i32>} : memref<10000xi32, #tpu.memory_space<vmem>>, vector<16xi32>,
      tpu.vector_store_idx %arg5[%get3A_63], %broadcast_in_dim3A_15 {add = true} : memref<10000xf32, #tpu.memory_space<vmem>>[vector<16xi32>], vector<16xf32>,
      %scan3A_64 = arith.constant 6 : i32
      %scan3A_65 = arith.addi %scan3A_29, %scan3A_64 : i32
      %mul3A_66 = arith.constant 16 : i32
      %mul3A_67 = arith.muli %scan3A_65, %mul3A_66 : i32
      %get3A_68 = arith.index_cast %mul3A_67 : i32 to index
      %get3A_69 = tpu.vector_load %arg4[%get3A_68] {strides = array<i32>} : memref<10000xi32, #tpu.memory_space<vmem>>, vector<16xi32>,
      tpu.vector_store_idx %arg5[%get3A_69], %broadcast_in_dim3A_15 {add = true} : memref<10000xf32, #tpu.memory_space<vmem>>[vector<16xi32>], vector<16xf32>,
      %scan3A_70 = arith.constant 7 : i32
      %scan3A_71 = arith.addi %scan3A_29, %scan3A_70 : i32
      %mul3A_72 = arith.constant 16 : i32
      %mul3A_73 = arith.muli %scan3A_71, %mul3A_72 : i32
      %get3A_74 = arith.index_cast %mul3A_73 : i32 to index
      %get3A_75 = tpu.vector_load %arg4[%get3A_74] {strides = array<i32>} : memref<10000xi32, #tpu.memory_space<vmem>>, vector<16xi32>,
      tpu.vector_store_idx %arg5[%get3A_75], %broadcast_in_dim3A_15 {add = true} : memref<10000xf32, #tpu.memory_space<vmem>>[vector<16xi32>], vector<16xf32>,
    }
    %scan3A_21 = arith.constant 624 : i32
    %scan3A_22 = arith.addi %scan3A_17, %scan3A_21 : i32
    %mul3A_23 = arith.constant 16 : i32
    %mul3A_24 = arith.muli %scan3A_22, %mul3A_23 : i32
    %get3A = arith.index_cast %mul3A_24 : i32 to index
    %get3A_25 = tpu.vector_load %arg4[%get3A] {strides = array<i32>} : memref<10000xi32, #tpu.memory_space<vmem>>, vector<16xi32>,
    tpu.vector_store_idx %arg5[%get3A_25], %broadcast_in_dim3A_15 {add = true} : memref<10000xf32, #tpu.memory_space<vmem>>[vector<16xi32>], vector<16xf32>,
    %scan3A_26 = arith.constant 625 : i32
    %mul3A_27 = arith.constant 10000 : i32
    %mul3A_28 = arith.muli %add3A, %mul3A_27 : i32
    "tpu.region"() ({
      %run_scoped3A = tpu.sem_alloc : memref<!tpu.dma_semaphore, #tpu.memory_space<semaphore_mem>>
      %dma_start3A = tpu.memref_slice %arg3[%mul3A_28] : memref<320000xf32, #tpu.memory_space<hbm>> -> memref<10000xf32, #tpu.memory_space<hbm>>
      %dma_start3A_29 = tpu.memref_slice %arg3[%mul3A_28] : memref<320000xf32, #tpu.memory_space<hbm>> -> memref<10000xf32, #tpu.memory_space<hbm>>
      tpu.enqueue_dma source(%arg5 : memref<10000xf32, #tpu.memory_space<vmem>>) target(%dma_start3A_29 : memref<10000xf32, #tpu.memory_space<hbm>>) target_semaphore(%run_scoped3A : memref<!tpu.dma_semaphore, #tpu.memory_space<semaphore_mem>>)
      %dma_wait3A = tpu.memref_slice %arg3[%mul3A_28] : memref<320000xf32, #tpu.memory_space<hbm>> -> memref<10000xf32, #tpu.memory_space<hbm>>
      %dma_wait3A_30 = tpu.memref_slice %arg3[%mul3A_28] : memref<320000xf32, #tpu.memory_space<hbm>> -> memref<10000xf32, #tpu.memory_space<hbm>>
      tpu.wait_dma2 semaphore(%run_scoped3A : memref<!tpu.dma_semaphore, #tpu.memory_space<semaphore_mem>>) src(%arg5 : memref<10000xf32, #tpu.memory_space<vmem>>) dst(%dma_wait3A_30 : memref<10000xf32, #tpu.memory_space<hbm>>)
      tpu.yield
    }) : () -> ()
    return
  }
}

module attributes {stable_mosaic.version = 14 : i64} {
  func.func @_out_body(%arg0: i32, %arg1: memref<2x2048x128xf32, #tpu.memory_space<vmem>>, %arg2: memref<2048x1xf32, #tpu.memory_space<vmem>>, %arg3: memref<128x128xf32, #tpu.memory_space<vmem>>, %arg4: memref<1x128xf32, #tpu.memory_space<vmem>>, %arg5: memref<2048x128xf32, #tpu.memory_space<vmem>>) attributes {dimension_semantics = [#tpu.dimension_semantics<arbitrary>], iteration_bounds = array<i64: 5>, scalar_prefetch = 0 : i64, scratch_operands = 0 : i64, tpu.core_type = #tpu.core_type<tc>, window_params = [{transform_indices = @transform_0, window_bounds = array<i64: 2, 2048, 128>}, {transform_indices = @transform_1, window_bounds = array<i64: 2048, 1>}, {pipeline_mode = #tpu.pipeline_mode<synchronous>, transform_indices = @transform_2, window_bounds = array<i64: 128, 128>}, {pipeline_mode = #tpu.pipeline_mode<synchronous>, transform_indices = @transform_3, window_bounds = array<i64: 1, 128>}, {transform_indices = @transform_4, window_bounds = array<i64: 2048, 128>}]} {
    %get3A = arith.constant 0 : index
    %get3A_0 = arith.constant 0 : index
    %get3A_1 = arith.constant 0 : index
    %get3A_2 = vector.load %arg1[%get3A, %get3A_0, %get3A_1] : memref<2x2048x128xf32, #tpu.memory_space<vmem>>, vector<1x2048x128xf32>
    %get3A_3 = vector.shape_cast %get3A_2 : vector<1x2048x128xf32> to vector<2048x128xf32>
    %get3A_4 = arith.constant 1 : index
    %get3A_5 = arith.constant 0 : index
    %get3A_6 = arith.constant 0 : index
    %get3A_7 = vector.load %arg1[%get3A_4, %get3A_5, %get3A_6] : memref<2x2048x128xf32, #tpu.memory_space<vmem>>, vector<1x2048x128xf32>
    %get3A_8 = vector.shape_cast %get3A_7 : vector<1x2048x128xf32> to vector<2048x128xf32>
    %add3A = arith.addf %get3A_3, %get3A_8 : vector<2048x128xf32>
    %get3A_9 = arith.constant 0 : index
    %get3A_10 = arith.constant 0 : index
    %get3A_11 = vector.load %arg2[%get3A_9, %get3A_10] : memref<2048x1xf32, #tpu.memory_space<vmem>>, vector<2048x1xf32>
    %mul3A = vector.broadcast %get3A_11 : vector<2048x1xf32> to vector<2048x128xf32>
    %mul3A_12 = arith.mulf %add3A, %mul3A : vector<2048x128xf32>
    %get3A_13 = arith.constant 0 : index
    %get3A_14 = arith.constant 0 : index
    %get3A_15 = vector.load %arg3[%get3A_13, %get3A_14] : memref<128x128xf32, #tpu.memory_space<vmem>>, vector<128x128xf32>
    %dot_general3A = arith.constant dense<0.000000e+00> : vector<2048x128xf32>
    %dot_general3A_16 = tpu.matmul %mul3A_12, %get3A_15, %dot_general3A {dimension_numbers = #tpu.dot_dimension_numbers<[1], [1], [0], [0], [0, 0, 1, 0], [], []>, transpose_lhs_hint = false} : vector<2048x128xf32>, vector<128x128xf32>, vector<2048x128xf32> -> vector<2048x128xf32>
    %get3A_17 = arith.constant 0 : index
    %get3A_18 = arith.constant 0 : index
    %get3A_19 = vector.load %arg4[%get3A_17, %get3A_18] : memref<1x128xf32, #tpu.memory_space<vmem>>, vector<1x128xf32>
    %add3A_20 = vector.broadcast %get3A_19 : vector<1x128xf32> to vector<2048x128xf32>
    %add3A_21 = arith.addf %dot_general3A_16, %add3A_20 : vector<2048x128xf32>
    %swap3A = arith.constant 0 : index
    %swap3A_22 = arith.constant 0 : index
    %swap3A_23 = vector.load %arg5[%swap3A, %swap3A_22] : memref<2048x128xf32, #tpu.memory_space<vmem>>, vector<2048x128xf32>
    tpu.vector_store %arg5[%swap3A, %swap3A_22], %add3A_21 {strides = array<i32>} : memref<2048x128xf32, #tpu.memory_space<vmem>>, vector<2048x128xf32>,
    return
  }
  func.func @transform_0(%arg0: i32) -> (i32, i32, i32) {
    %c0_i32 = arith.constant 0 : i32
    %c0_i32_0 = arith.constant 0 : i32
    %c0_i32_1 = arith.constant 0 : i32
    return %c0_i32, %arg0, %c0_i32_0 : i32, i32, i32
  }
  func.func @transform_1(%arg0: i32) -> (i32, i32) {
    %c0_i32 = arith.constant 0 : i32
    %c0_i32_0 = arith.constant 0 : i32
    return %arg0, %c0_i32 : i32, i32
  }
  func.func @transform_2(%arg0: i32) -> (i32, i32) {
    %c0_i32 = arith.constant 0 : i32
    %c0_i32_0 = arith.constant 0 : i32
    %c0_i32_1 = arith.constant 0 : i32
    return %c0_i32, %c0_i32_0 : i32, i32
  }
  func.func @transform_3(%arg0: i32) -> (i32, i32) {
    %c0_i32 = arith.constant 0 : i32
    %c0_i32_0 = arith.constant 0 : i32
    %c0_i32_1 = arith.constant 0 : i32
    return %c0_i32, %c0_i32_0 : i32, i32
  }
  func.func @transform_4(%arg0: i32) -> (i32, i32) {
    %c0_i32 = arith.constant 0 : i32
    %c0_i32_0 = arith.constant 0 : i32
    return %arg0, %c0_i32 : i32, i32
  }
}

module attributes {stable_mosaic.version = 14 : i64} {
  func.func @_prep_body(%arg0: memref<10000x128xf32, #tpu.memory_space<vmem>>, %arg1: memref<32x10000xf32, #tpu.memory_space<vmem>>, %arg2: memref<10240x128xf32, #tpu.memory_space<vmem>>, %arg3: memref<10000x1xf32, #tpu.memory_space<vmem>>) attributes {dimension_semantics = [], scalar_prefetch = 0 : i64, scratch_operands = 0 : i64, tpu.core_type = #tpu.core_type<tc>} {
    %get3A = arith.constant 0 : index
    %get3A_0 = arith.constant 0 : index
    %get3A_1 = vector.load %arg1[%get3A, %get3A_0] : memref<32x10000xf32, #tpu.memory_space<vmem>>, vector<32x10000xf32>
    %reduce_sum3A = arith.constant dense<0.000000e+00> : vector<10000xf32>
    %reduce_sum3A_2 = vector.multi_reduction <add>, %get3A_1, %reduce_sum3A [0] : vector<32x10000xf32> to vector<10000xf32>
    %add3A = arith.constant 1.000000e+00 : f32
    %add3A_3 = vector.broadcast %add3A : f32 to vector<10000xf32>
    %add3A_4 = arith.addf %reduce_sum3A_2, %add3A_3 : vector<10000xf32>
    %rsqrt3A = math.rsqrt %add3A_4 : vector<10000xf32>
    %get3A_5 = arith.constant 0 : index
    %get3A_6 = arith.constant 0 : index
    %get3A_7 = vector.load %arg0[%get3A_5, %get3A_6] : memref<10000x128xf32, #tpu.memory_space<vmem>>, vector<10000x128xf32>
    %broadcast_in_dim3A = vector.shape_cast %rsqrt3A : vector<10000xf32> to vector<10000x1xf32>
    %mul3A = vector.broadcast %broadcast_in_dim3A : vector<10000x1xf32> to vector<10000x128xf32>
    %mul3A_8 = arith.mulf %get3A_7, %mul3A : vector<10000x128xf32>
    %swap3A = arith.constant 0 : index
    %swap3A_9 = arith.constant 0 : index
    %swap3A_10 = vector.load %arg2[%swap3A, %swap3A_9] : memref<10240x128xf32, #tpu.memory_space<vmem>>, vector<10000x128xf32>
    tpu.vector_store %arg2[%swap3A, %swap3A_9], %mul3A_8 {strides = array<i32>} : memref<10240x128xf32, #tpu.memory_space<vmem>>, vector<10000x128xf32>,
    %broadcast_in_dim3A_11 = vector.shape_cast %rsqrt3A : vector<10000xf32> to vector<10000x1xf32>
    %swap3A_12 = arith.constant 0 : index
    %swap3A_13 = arith.constant 0 : index
    %swap3A_14 = vector.load %arg3[%swap3A_12, %swap3A_13] : memref<10000x1xf32, #tpu.memory_space<vmem>>, vector<10000x1xf32>
    tpu.vector_store %arg3[%swap3A_12, %swap3A_13], %broadcast_in_dim3A_11 {strides = array<i32>} : memref<10000x1xf32, #tpu.memory_space<vmem>>, vector<10000x1xf32>,
    return
  }
}

</mosaic_0001>

<sc_bundles>
// kernel: kernel.6.cloned.1.call-start
scs
__scs_entry_jumppad:
0x0: {  	(pc) =	sbr.rel $0x88, $3  }
0x1: {  	(tag) =	ssettag $0x0;
	lr =	simm.s32 $0x1  }
0x2: {  	[smem:$0x3F9D] =	sst lr;
	_ =	strace $0xD0000000  }
0x3: {  	_ = 	snop  }
0x4: {  	_ = 	snop  }
0x5: {  	_ = 	snop  }
0x6: {  	_ = 	snop  }
0x7: {  	_ = 	snop  }
__scs_overlays_trampoline_lowered:
0x8: {  	[smem:$0x3FAC] =	sst s0  }
0x9: {  	[smem:$0x3FAD] =	sst s1  }
0xa: {  	[smem:$0x3FAE] =	sst s2  }
0xb: {  	[smem:$0x3FAF] =	sst s3  }
0xc: {  	[smem:$0x3FB0] =	sst s4  }
0xd: {  	[smem:$0x3FB1] =	sst s5  }
0xe: {  	[smem:$0x3FB2] =	sst s6  }
0xf: {  	[smem:$0x3FB3] =	sst s7  }
0x10: {  	[smem:$0x3FB4] =	sst s8  }
0x11: {  	[smem:$0x3FB5] =	sst s9;
	s0 =	simm.s32 @!p0 $0x0  }
0x12: {  	s1 =	sld [smem:$0x3F9B];
	s0 =	simm.s32 @p0 $0x1  }
0x13: {  	[smem:$0x3FB6] =	sst s0;
	s0 =	simm.s32 @!p1 $0x0  }
0x14: {  	s2 =	sld [smem:$0x3F9A];
	s0 =	simm.s32 @p1 $0x1  }
0x15: {  	[smem:$0x3FB7] =	sst s0;
	s0 =	simm.s32 @!p2 $0x0  }
0x16: {  	s3 =	sld [smem:$0x3FDB];
	s0 =	simm.s32 @p2 $0x1  }
0x17: {  	s4 =	simm.s32 $0x1BF5;
	[smem:$0x3FB9] =	sst s0  }
0x18: {  	s0 =	sld [smem:$0x3F9C];
	_ =	swait.ge [sflag:s4], $0x0  }
0x19: {  	s7 =	sld [smem:$0x3F9D]  }
0x1a: {  	s8 =	sadd.s32 $0xFFFFE003, lr  }
0x1b: {  	s9 =	sadd.s32 $0xFFFFFEF7, lr;
	s5 =	simm.s32 $0xFFFFFFFF;
	p2 =	slt.u32 s8, $0xFFFFF086  }
0x1c: {  	p1 =	slt.u32 s9, $0xF7A;
	s5 =	simm.s32 @!p2 $0x0  }
0x1d: {  	s5 =	simm.s32 @p1 $0x1;
	p0 =	seq.s32 s7, s2  }
0x1e: {  	s7 =	smul.u32 @!p0 $0xF7A, s2;
	p2 =	seq.s32 @!p0 s5, $0x0  }
0x1f: {  	s9 =	smul.u32 $0xF7A, s1;
	s8 =	simm.s32 @!p0 $0x1BF5;
	p2 =	por !p2, p0  }
0x20: {  	[sflag:s8] =	ssyncset.s32 @!p0 $0xFFFFF086;
	s6 =	sadd.s32 @!p0 s3, s7;
	s7 =	simm.s32 @!p0 $0x108  }
0x21: {  	s3 =	sadd.s32 s3, s9;
	s6 =	sadd.s32 @!p0 $0x88, s6;
	s7 =	simm.s32 @p2 $0x1082  }
0x22: {  	[simem:s7], [sflag:s8] =	dma.local @!p0 [hbm:s6], $0xF7A  }
0x23: {  	s9 =	sor.u32 $0xD0000000, s2;
	s6 =	simm.s32 $0x108;
	_ =	swait.ge @!p0 [sflag:s8], $0x0  }
0x24: {  	s3 =	sadd.s32 $0x88, s3;
	s6 =	simm.s32 @!p1 $0x1082;
	[sflag:s4] =	ssyncset.s32 $0xFFFFF086  }
0x25: {  	[simem:s6], [sflag:s4] =	dma.local [hbm:s3], $0xF7A  }
0x26: {  	[smem:$0x3F9D] =	sst s1;
	(tag) =	ssettag s2;
	_ =	strace s9  }
0x27: {  	s1 =	sld [smem:$0x3FAD]  }
0x28: {  	s2 =	sld [smem:$0x3FAE]  }
0x29: {  	s4 =	sld [smem:$0x3FB0]  }
0x2a: {  	p0 =	seq.s32 s5, $0x0;
	s5 =	sld [smem:$0x3FB1]  }
0x2b: {  	s6 =	sld [smem:$0x3FB2]  }
0x2c: {  	s7 =	sld [smem:$0x3FB3]  }
0x2d: {  	s3 =	simm.s32 $0x108;
	s8 =	sld [smem:$0x3FB4]  }
0x2e: {  	s3 =	simm.s32 @!p0 $0x1082;
	s9 =	sld [smem:$0x3FB5]  }
0x2f: {  	lr =	sadd.s32 s0, s3;
	s0 =	sld [smem:$0x3FAC]  }
0x30: {  	s3 =	sld [smem:$0x3FAF]  }
0x31: {  	[smem:$0x3FB8] =	sst s10  }
0x32: {  	s10 =	sld [smem:$0x3FB6];
	_ =	sdelay $0x3  }
0x33: {  	p0 =	seq.s32 s10, $0x1;
	s10 =	sld [smem:$0x3FB8];
	_ =	sdelay $0x3  }
0x34: {  	[smem:$0x3FB8] =	sst s10  }
0x35: {  	s10 =	sld [smem:$0x3FB7];
	_ =	sdelay $0x3  }
0x36: {  	p1 =	seq.s32 s10, $0x1;
	s10 =	sld [smem:$0x3FB8];
	_ =	sdelay $0x3  }
0x37: {  	[smem:$0x3FB8] =	sst s10  }
0x38: {  	s10 =	sld [smem:$0x3FB9]  }
0x39: {  	_ = 	snop;
	(pc) =	sbr.ind lr, $3  }
0x3a: {  	_ = 	snop  }
0x3b: {  	_ = 	snop  }
0x3c: {  	p2 =	seq.s32 s10, $0x1;
	s10 =	sld [smem:$0x3FB8]  }
0x3d: {  	_ =	shalt  }
0x3e: {  	_ =	shalt  }
0x3f: {  	_ =	shalt  }
0x40: {  	_ =	shalt  }
0x41: {  	_ =	shalt  }
0x42: {  	_ =	shalt  }
0x43: {  	_ =	shalt  }
0x44: {  	_ =	shalt  }
0x45: {  	_ =	shalt  }
0x46: {  	_ =	shalt  }
0x47: {  	_ =	shalt  }
0x48: {  	_ =	shalt  }
0x49: {  	_ =	shalt  }
0x4a: {  	_ =	shalt  }
0x4b: {  	_ =	shalt  }
0x4c: {  	_ =	shalt  }
0x4d: {  	_ =	shalt  }
0x4e: {  	_ =	shalt  }
0x4f: {  	_ =	shalt  }
0x50: {  	_ =	shalt  }
0x51: {  	_ =	shalt  }
0x52: {  	_ =	shalt  }
0x53: {  	_ =	shalt  }
0x54: {  	_ =	shalt  }
0x55: {  	_ =	shalt  }
0x56: {  	_ =	shalt  }
0x57: {  	_ =	shalt  }
0x58: {  	_ =	shalt  }
0x59: {  	_ =	shalt  }
0x5a: {  	_ =	shalt  }
0x5b: {  	_ =	shalt  }
0x5c: {  	_ =	shalt  }
0x5d: {  	_ =	shalt  }
0x5e: {  	_ =	shalt  }
0x5f: {  	_ =	shalt  }
0x60: {  	_ =	shalt  }
0x61: {  	_ =	shalt  }
0x62: {  	_ =	shalt  }
0x63: {  	_ =	shalt  }
0x64: {  	_ =	shalt  }
0x65: {  	_ =	shalt  }
0x66: {  	_ =	shalt  }
0x67: {  	_ =	shalt  }
0x68: {  	_ =	shalt  }
0x69: {  	_ =	shalt  }
0x6a: {  	_ =	shalt  }
0x6b: {  	_ =	shalt  }
0x6c: {  	_ =	shalt  }
0x6d: {  	_ =	shalt  }
0x6e: {  	_ =	shalt  }
0x6f: {  	_ =	shalt  }
0x70: {  	_ =	shalt  }
0x71: {  	_ =	shalt  }
0x72: {  	_ =	shalt  }
0x73: {  	_ =	shalt  }
0x74: {  	_ =	shalt  }
0x75: {  	_ =	shalt  }
0x76: {  	_ =	shalt  }
0x77: {  	_ =	shalt  }
0x78: {  	_ =	shalt  }
0x79: {  	_ =	shalt  }
0x7a: {  	_ =	shalt  }
0x7b: {  	_ =	shalt  }
0x7c: {  	_ =	shalt  }
0x7d: {  	_ =	shalt  }
0x7e: {  	_ =	shalt  }
0x7f: {  	_ =	shalt  }
0x80: {  	_ =	shalt  }
0x81: {  	_ =	shalt  }
0x82: {  	_ =	shalt  }
0x83: {  	_ =	shalt  }
0x84: {  	_ =	shalt  }
0x85: {  	_ =	shalt  }
0x86: {  	_ =	shalt  }
0x87: {  	_ =	shalt  }
.Lfunc_end0:
.L_simem_size_0:
called_computation_lowered:
.L_overlay_start_0:
0x88: {  	s2 =	sld [smem:$0x3FD9]  }
0x89: {  	s3 =	sld [smem:$0x3FFE];
	_ =	sdelay $0x1  }
0x8a: {  	s1 =	srdreg.scid  }
0x8b: {  	s0 =	sand.u32 $0x1, s1  }
0x8c: {  	s17 =	sshll.u32 s0, $0xA;
	s2 =	sadd.s32 s3, s2  }
0x8d: {  	s2 =	sadd.s32 s2, s17  }
0x8e: {  	[smem:$0x3FC4] =	sst s2  }
0x8f: {  	_ = 	snop  }
0x90: {  	s2 =	sld [smem:$0x3FD0];
	(tm) =	ssettm $0x1  }
0x91: {  	s18 =	sld [smem:$0x3FFB];
	_ =	sdelay $0x3  }
0x92: {  	_ =	strace s18  }
0x93: {  	s3 =	sld [smem:$0x3FFC];
	_ =	sdelay $0x3  }
0x94: {  	_ =	strace s3  }
0x95: {  	s3 =	sld [smem:$0x3FFD];
	_ =	sdelay $0x3  }
0x96: {  	_ =	strace s3  }
0x97: {  	_ =	strace $0x8FFFFFFF  }
0x98: {  	s19 =	sld [smem:$0x3FDB];
	_ =	sdelay $0x1  }
0x99: {  	s4 =	simm.s32 $_scs_section_size  }
0x9a: {  	s5 =	simm.s32 $_size__tile_overlayer_lowered;
	s6 =	simm.s32 $_tile_overlayer_lowered  }
0x9b: {  	s22 =	simm.s32 $0x1BFF;
	s21 =	sshll.u32 s6, $0x1;
	s3 =	sadd.s32 s4, s19  }
0x9c: {  	s7 =	simm.s32 $0x0;
	s20 =	sshll.u32 s5, $0x1;
	s5 =	sadd.s32 s21, s3  }
0x9d: {  	[timem:s7], [sflag:s22] =	dma.local [hbm:s5], s20  }
0x9e: {  	_ =	swait.ge [sflag:s22], s20  }
0x9f: {  	s4 =	ssub.s32 $0x0, s20;
	[sflag:s22] =	ssyncset.done $0x0  }
0xa0: {  	[sflag:s22] =	ssyncadd.s32 s4;
	_ =	sdelay $0x1  }
0xa1: {  	s23 =	simm.s32 $0x1B8B  }
0xa2: {  	_ =	swait.ge [sflag:s23], $0x1  }
0xa3: {  	[sflag:s23] =	ssyncset.done $0x0  }
0xa4: {  	s25 =	simm.s32 $0x1B8E;
	s24 =	sld [smem:$0x3FFE];
	[sflag:s23] =	ssyncadd.s32 $0xFFFFFFFF  }
0xa5: {  	s26 =	simm.s32 $execute0_lowered;
	[smem:$0x3FD2] =	sst s25  }
0xa6: {  	s5 =	sshll.u32 s26, $0x1;
	_ =	strace $0x80000046;
	[dreg:$0x1] =	wrdreg $0xFFFFFFFF  }
0xa7: {  	s28 =	simm.s32 $_size_execute0_lowered;
	s3 =	sadd.s32 s3, s5;
	[dreg:$0x0] =	wrdreg $0x0  }
0xa8: {  	s5 =	sshll.u32 s28, $0x1;
	[dreg:$0x2] =	wrdreg s3  }
0xa9: {  	[dreg:$0x3] =	wrdreg s5  }
0xaa: {  	[dreg:$0x4] =	wrdreg $0xC0  }
0xab: {  	_ =	task [dreg:s7], $0x5FFFF  }
0xac: {  	[dreg:$0x1] =	wrdreg $0xFFFFFFFF  }
0xad: {  	[dreg:$0x0] =	wrdreg $0x60  }
0xae: {  	[dreg:$0x2] =	wrdreg s2  }
0xaf: {  	[dreg:$0x3] =	wrdreg s24  }
0xb0: {  	[dreg:$0x4] =	wrdreg $0x9  }
0xb1: {  	_ =	task.clear_ibuf [dreg:s7], $0x5FFFF;
	_ =	strace $0x90000046  }
0xb2: {  	s29 =	simm.s32 $0x9;
	_ =	strace $0x80000048  }
0xb3: {  	_ =	swait.ge [sflag:s29], $0x1  }
0xb4: {  	[sflag:s29] =	ssyncadd.s32 $0xFFFFFFFF  }
0xb5: {  	_ =	strace $0x90000048  }
0xb6: {  	_ =	sfence  }
0xb7: {  	s30 =	sld [smem:$0x0];
	_ =	sdelay $0x2  }
0xb8: {  	s31 =	sshll.u32 s1, $0xD;
	s1 =	sshrl.u32 s1, $0x2  }
0xb9: {  	s3 =	sand.u32 $0x4000, s31;
	s1 =	sadd.s32 s1, s30  }
0xba: {  	s0 =	sor.u32 s3, s0;
	s1 =	sshll.u32 s1, $0x11  }
0xbb: {  	s0 =	sor.u32 s1, s0  }
0xbc: {  	s0 =	sadd.s32 $0x8F2B, s0  }
0xbd: {  	[sflag:s0] =	ssyncadd.remote.s32 $0x1  }
0xbe: {  	_ =	sfence.sel $0xFFFF  }
0xbf: {  	[dreg:$0x0] =	wrdreg $0xFFFFFFFF;
	(pc) =	sbr.abs _section_cstart, $3  }
0xc0: {  	[dreg:$0x1] =	wrdreg $0xFFFFFFFF  }
0xc1: {  	_ =	task.clear_ibuf [dreg:s7], $0x2FFFF;
	_ =	strace $0x9FFFFFFF  }
0xc2: {  	(tm) =	ssettm $0x7FFFFFFF  }
0xc3: {  	_ =	shalt  }
tec
execute0_lowered:
.L_overlay_start_1:
0x0: {  	(tag) =	ssettag $0x1  }
0x1: {  	s3 =	rddreg [dreg:$0x0];
	s1 =	srdreg.scid  }
0x2: {  	s0 =	stileid.u32;
	s4 =	rddreg [dreg:$0x1]  }
0x3: {  	s8 =	simm.s32 $0x0;
	s5 =	sand.u32 $0x1, s1;
	s2 =	sshll.u32 s0, $0x1  }
0x4: {  	s6 =	sor.u32 s5, s2;
	s2 =	simm.s32 $0x0;
	s5 =	ssub.s32 $0x2, s5  }
0x5: {  	s6 =	smul.u32 $0x4E2, s6;
	[smem:$0x7FF] =	sst s2;
	s7 =	sshrl.u32 s5, $0x1  }
0x6: {  	s1 =	rddreg [dreg:$0x2];
	_ =	strace $0x80000047;
	s5 =	ssub.s32 s5, s7  }
0x7: {  	s7 =	simm.s32 $0x2780;
	s4 =	sadd.s32 s6, s4;
	s3 =	sadd.s32 s3, s6  }
0x8: {  	v0 =	vimm.f32 $0.0e+00;
	v1 =	vimm.f32 $1.000000000e+00;
	s5 =	smax.u32 s5, $0x1;
	s6 =	simm.s32 $0x1;
	s4 =	sadd.s32 $0x1A00, s4  }
.LBB2_1:
0x9: {  	[tilespmem:s2], [sflag:$0x1] =	stream.linear.gather [hbm4b:s3+s2], $0x2710, $0x38;
	[tilespmem:$0x4F00] =	vst v63  }
0xa: {  	_ =	swait.ge [sflag:s6], $0x2710  }
0xb: {  	[sflag:s6] =	ssyncset.done $0x0  }
0xc: {  	s9 =	simm.s32 $0x27A0;
	[sflag:s6] =	ssyncadd.s32 $0xFFFFD8F0  }
0xd: {  	[tilespmem:s9+$0xFFFFFFE0] =	vst v0  }
0xe: {  	[tilespmem:s9+$0x10] =	vst v0  }
0xf: {  	s10 =	simm.s32 $0x0;
	[tilespmem:s9+$0x0] =	vst v0  }
.LBB2_2:
0x10: {  	s10 =	sadd.s32 $0x4, s10  }
0x11: {  	[tilespmem:s9+$0xFFFFFFF0] =	vst v0;
	s9 =	sadd.s32 $0x40, s9;
	p0 =	slt.u32 s10, $0x26C  }
.Ltmp0:
0x12: {  	[tilespmem:s9+$0xFFFFFFE0] =	vst v0;
	(pc) =	sbr.rel @p0 .LBB2_2-.Ltmp0, $3  }
0x13: {  	_ =	sdelay $0x1  }
0x14: {  	[tilespmem:s9+$0x10] =	vst v0  }
0x15: {  	[tilespmem:s9+$0x0] =	vst v0  }
0x16: {  	[tilespmem:s9+$0xFFFFFFF0] =	vst v0  }
0x17: {  	s9 =	simm.s32 $0xFFFFFFF8;
	s10 =	simm.s32 $0x40;
	[tilespmem:$0x4E80] =	vst v0  }
.LBB2_4:
0x18: {  	v2 =	vld [tilespmem:s10+$0xFFFFFFC0];
	_ =	sdelay $0x7  }
0x19: {  	[tilespmem:v2+s7+$0x0] =	vst.idx.add.f32.msk $0xffff, v1  }
0x1a: {  	v2 =	vld [tilespmem:s10+$0xFFFFFFD0];
	_ =	sdelay $0x7  }
0x1b: {  	[tilespmem:v2+s7+$0x0] =	vst.idx.add.f32.msk $0xffff, v1  }
0x1c: {  	v2 =	vld [tilespmem:s10+$0xFFFFFFE0];
	_ =	sdelay $0x7  }
0x1d: {  	[tilespmem:v2+s7+$0x0] =	vst.idx.add.f32.msk $0xffff, v1  }
0x1e: {  	v2 =	vld [tilespmem:s10+$0xFFFFFFF0];
	_ =	sdelay $0x7  }
0x1f: {  	[tilespmem:v2+s7+$0x0] =	vst.idx.add.f32.msk $0xffff, v1  }
0x20: {  	v2 =	vld [tilespmem:s10+$0x0];
	_ =	sdelay $0x7  }
0x21: {  	[tilespmem:v2+s7+$0x0] =	vst.idx.add.f32.msk $0xffff, v1  }
0x22: {  	v2 =	vld [tilespmem:s10+$0x10];
	_ =	sdelay $0x7  }
0x23: {  	[tilespmem:v2+s7+$0x0] =	vst.idx.add.f32.msk $0xffff, v1  }
0x24: {  	v2 =	vld [tilespmem:s10+$0x20];
	_ =	sdelay $0x7  }
0x25: {  	[tilespmem:v2+s7+$0x0] =	vst.idx.add.f32.msk $0xffff, v1  }
0x26: {  	v2 =	vld [tilespmem:s10+$0x30];
	_ =	sdelay $0x1  }
0x27: {  	s9 =	sadd.s32 $0x8, s9  }
0x28: {  	p0 =	slt.u32 s9, $0x268  }
.Ltmp1:
0x29: {  	_ = 	snop;
	(pc) =	sbr.rel @p0 .LBB2_4-.Ltmp1, $2  }
0x2a: {  	_ =	sdelay $0x2  }
0x2b: {  	s10 =	sadd.s32 $0x80, s10;
	[tilespmem:v2+s7+$0x0] =	vst.idx.add.f32.msk $0xffff, v1  }
0x2c: {  	v2 =	vld [tilespmem:$0x2700];
	_ =	sdelay $0x5  }
0x2d: {  	s8 =	sadd.s32 $0x1, s8  }
0x2e: {  	p0 =	sne.s32 s8, s5  }
.Ltmp2:
0x2f: {  	[tilespmem:v2+s7+$0x0] =	vst.idx.add.f32.msk $0xffff, v1;
	(pc) =	sbr.rel @p0 .LBB2_1-.Ltmp2, $4  }
0x30: {  	[hbm4b:s4+s2] =	stream.linear.scatter [tilespmem:s7], [sflag:$0x1], $0x2710, $0x38;
	[tilespmem:$0x4F00] =	vst v63  }
0x31: {  	_ =	swait.ge [sflag:s6], $0x2710  }
0x32: {  	[sflag:s6] =	ssyncset.done $0x0  }
0x33: {  	[sflag:s6] =	ssyncadd.s32 $0xFFFFD8F0  }
0x34: {  	_ =	sfence.sel $0x180000  }
0x35: {  	[bflag:$0x0] =	sbarrier.arrive $0xFFFF  }
0x36: {  	p0 =	sne.s32 s0, $0x0;
	_ =	strace $0x90000047  }
0x37: {  	s0 =	sadd.s32 @!p0 $0x100000, s1;
	[bflag:$0x2] =	sbarrier.arrive $0xFFFF  }
0x38: {  	[sflag:s0] =	ssyncadd.tile.s32 @!p0 $0x1;
	_ =	shalt  }
.Lfunc_end2:
_tile_overlayer_lowered:
.L_overlay_start_2:
0x39: {  	(tag) =	ssettag $0x2  }
0x3a: {  	s0 =	rddreg [dreg:$0x0];
	s2 =	stileid.u32  }
0x3b: {  	s1 =	rddreg [dreg:$0x1];
	p0 =	sne.s32 s2, $0x0  }
0x3c: {  	s3 =	rddreg [dreg:$0x2];
	[bflag:$0x3] =	sbarrier.arrive $0xFFFF;
	s2 =	simm.s32 @!p0 $0x1C01  }
0x3d: {  	[timem:s3], [sflag:s2] =	dma.local @!p0 [hbm:s0], s1  }
0x3e: {  	s0 =	simm.s32 @!p0 $0x1  }
0x3f: {  	_ =	swait.ge @!p0 [sflag:s0], s1  }
0x40: {  	s1 =	ssub.s32 @!p0 $0x0, s1;
	[sflag:s0] =	ssyncset.done @!p0 $0x0  }
0x41: {  	[sflag:s0] =	ssyncadd.s32 @!p0 s1  }
0x42: {  	[bflag:$0x3] =	sbarrier.arrive $0xFFFF  }
0x43: {  	_ =	shalt  }

// kernel: kernel.9.cloned.1.call-start
scs
__scs_entry_jumppad:
0x0: {  	(pc) =	sbr.rel $0x88, $3  }
0x1: {  	(tag) =	ssettag $0x0;
	lr =	simm.s32 $0x1  }
0x2: {  	[smem:$0x3F9D] =	sst lr;
	_ =	strace $0xD0000000  }
0x3: {  	_ = 	snop  }
0x4: {  	_ = 	snop  }
0x5: {  	_ = 	snop  }
0x6: {  	_ = 	snop  }
0x7: {  	_ = 	snop  }
__scs_overlays_trampoline_lowered:
0x8: {  	[smem:$0x3FAC] =	sst s0  }
0x9: {  	[smem:$0x3FAD] =	sst s1  }
0xa: {  	[smem:$0x3FAE] =	sst s2  }
0xb: {  	[smem:$0x3FAF] =	sst s3  }
0xc: {  	[smem:$0x3FB0] =	sst s4  }
0xd: {  	[smem:$0x3FB1] =	sst s5  }
0xe: {  	[smem:$0x3FB2] =	sst s6  }
0xf: {  	[smem:$0x3FB3] =	sst s7  }
0x10: {  	[smem:$0x3FB4] =	sst s8  }
0x11: {  	[smem:$0x3FB5] =	sst s9;
	s0 =	simm.s32 @!p0 $0x0  }
0x12: {  	s1 =	sld [smem:$0x3F9B];
	s0 =	simm.s32 @p0 $0x1  }
0x13: {  	[smem:$0x3FB6] =	sst s0;
	s0 =	simm.s32 @!p1 $0x0  }
0x14: {  	s2 =	sld [smem:$0x3F9A];
	s0 =	simm.s32 @p1 $0x1  }
0x15: {  	[smem:$0x3FB7] =	sst s0;
	s0 =	simm.s32 @!p2 $0x0  }
0x16: {  	s3 =	sld [smem:$0x3FDB];
	s0 =	simm.s32 @p2 $0x1  }
0x17: {  	s4 =	simm.s32 $0x1BF5;
	[smem:$0x3FB9] =	sst s0  }
0x18: {  	s0 =	sld [smem:$0x3F9C];
	_ =	swait.ge [sflag:s4], $0x0  }
0x19: {  	s7 =	sld [smem:$0x3F9D]  }
0x1a: {  	s8 =	sadd.s32 $0xFFFFE003, lr  }
0x1b: {  	s9 =	sadd.s32 $0xFFFFFEF7, lr;
	s5 =	simm.s32 $0xFFFFFFFF;
	p2 =	slt.u32 s8, $0xFFFFF086  }
0x1c: {  	p1 =	slt.u32 s9, $0xF7A;
	s5 =	simm.s32 @!p2 $0x0  }
0x1d: {  	s5 =	simm.s32 @p1 $0x1;
	p0 =	seq.s32 s7, s2  }
0x1e: {  	s7 =	smul.u32 @!p0 $0xF7A, s2;
	p2 =	seq.s32 @!p0 s5, $0x0  }
0x1f: {  	s9 =	smul.u32 $0xF7A, s1;
	s8 =	simm.s32 @!p0 $0x1BF5;
	p2 =	por !p2, p0  }
0x20: {  	[sflag:s8] =	ssyncset.s32 @!p0 $0xFFFFF086;
	s6 =	sadd.s32 @!p0 s3, s7;
	s7 =	simm.s32 @!p0 $0x108  }
0x21: {  	s3 =	sadd.s32 s3, s9;
	s6 =	sadd.s32 @!p0 $0x88, s6;
	s7 =	simm.s32 @p2 $0x1082  }
0x22: {  	[simem:s7], [sflag:s8] =	dma.local @!p0 [hbm:s6], $0xF7A  }
0x23: {  	s9 =	sor.u32 $0xD0000000, s2;
	s6 =	simm.s32 $0x108;
	_ =	swait.ge @!p0 [sflag:s8], $0x0  }
0x24: {  	s3 =	sadd.s32 $0x88, s3;
	s6 =	simm.s32 @!p1 $0x1082;
	[sflag:s4] =	ssyncset.s32 $0xFFFFF086  }
0x25: {  	[simem:s6], [sflag:s4] =	dma.local [hbm:s3], $0xF7A  }
0x26: {  	[smem:$0x3F9D] =	sst s1;
	(tag) =	ssettag s2;
	_ =	strace s9  }
0x27: {  	s1 =	sld [smem:$0x3FAD]  }
0x28: {  	s2 =	sld [smem:$0x3FAE]  }
0x29: {  	s4 =	sld [smem:$0x3FB0]  }
0x2a: {  	p0 =	seq.s32 s5, $0x0;
	s5 =	sld [smem:$0x3FB1]  }
0x2b: {  	s6 =	sld [smem:$0x3FB2]  }
0x2c: {  	s7 =	sld [smem:$0x3FB3]  }
0x2d: {  	s3 =	simm.s32 $0x108;
	s8 =	sld [smem:$0x3FB4]  }
0x2e: {  	s3 =	simm.s32 @!p0 $0x1082;
	s9 =	sld [smem:$0x3FB5]  }
0x2f: {  	lr =	sadd.s32 s0, s3;
	s0 =	sld [smem:$0x3FAC]  }
0x30: {  	s3 =	sld [smem:$0x3FAF]  }
0x31: {  	[smem:$0x3FB8] =	sst s10  }
0x32: {  	s10 =	sld [smem:$0x3FB6];
	_ =	sdelay $0x3  }
0x33: {  	p0 =	seq.s32 s10, $0x1;
	s10 =	sld [smem:$0x3FB8];
	_ =	sdelay $0x3  }
0x34: {  	[smem:$0x3FB8] =	sst s10  }
0x35: {  	s10 =	sld [smem:$0x3FB7];
	_ =	sdelay $0x3  }
0x36: {  	p1 =	seq.s32 s10, $0x1;
	s10 =	sld [smem:$0x3FB8];
	_ =	sdelay $0x3  }
0x37: {  	[smem:$0x3FB8] =	sst s10  }
0x38: {  	s10 =	sld [smem:$0x3FB9]  }
0x39: {  	_ = 	snop;
	(pc) =	sbr.ind lr, $3  }
0x3a: {  	_ = 	snop  }
0x3b: {  	_ = 	snop  }
0x3c: {  	p2 =	seq.s32 s10, $0x1;
	s10 =	sld [smem:$0x3FB8]  }
0x3d: {  	_ =	shalt  }
0x3e: {  	_ =	shalt  }
0x3f: {  	_ =	shalt  }
0x40: {  	_ =	shalt  }
0x41: {  	_ =	shalt  }
0x42: {  	_ =	shalt  }
0x43: {  	_ =	shalt  }
0x44: {  	_ =	shalt  }
0x45: {  	_ =	shalt  }
0x46: {  	_ =	shalt  }
0x47: {  	_ =	shalt  }
0x48: {  	_ =	shalt  }
0x49: {  	_ =	shalt  }
0x4a: {  	_ =	shalt  }
0x4b: {  	_ =	shalt  }
0x4c: {  	_ =	shalt  }
0x4d: {  	_ =	shalt  }
0x4e: {  	_ =	shalt  }
0x4f: {  	_ =	shalt  }
0x50: {  	_ =	shalt  }
0x51: {  	_ =	shalt  }
0x52: {  	_ =	shalt  }
0x53: {  	_ =	shalt  }
0x54: {  	_ =	shalt  }
0x55: {  	_ =	shalt  }
0x56: {  	_ =	shalt  }
0x57: {  	_ =	shalt  }
0x58: {  	_ =	shalt  }
0x59: {  	_ =	shalt  }
0x5a: {  	_ =	shalt  }
0x5b: {  	_ =	shalt  }
0x5c: {  	_ =	shalt  }
0x5d: {  	_ =	shalt  }
0x5e: {  	_ =	shalt  }
0x5f: {  	_ =	shalt  }
0x60: {  	_ =	shalt  }
0x61: {  	_ =	shalt  }
0x62: {  	_ =	shalt  }
0x63: {  	_ =	shalt  }
0x64: {  	_ =	shalt  }
0x65: {  	_ =	shalt  }
0x66: {  	_ =	shalt  }
0x67: {  	_ =	shalt  }
0x68: {  	_ =	shalt  }
0x69: {  	_ =	shalt  }
0x6a: {  	_ =	shalt  }
0x6b: {  	_ =	shalt  }
0x6c: {  	_ =	shalt  }
0x6d: {  	_ =	shalt  }
0x6e: {  	_ =	shalt  }
0x6f: {  	_ =	shalt  }
0x70: {  	_ =	shalt  }
0x71: {  	_ =	shalt  }
0x72: {  	_ =	shalt  }
0x73: {  	_ =	shalt  }
0x74: {  	_ =	shalt  }
0x75: {  	_ =	shalt  }
0x76: {  	_ =	shalt  }
0x77: {  	_ =	shalt  }
0x78: {  	_ =	shalt  }
0x79: {  	_ =	shalt  }
0x7a: {  	_ =	shalt  }
0x7b: {  	_ =	shalt  }
0x7c: {  	_ =	shalt  }
0x7d: {  	_ =	shalt  }
0x7e: {  	_ =	shalt  }
0x7f: {  	_ =	shalt  }
0x80: {  	_ =	shalt  }
0x81: {  	_ =	shalt  }
0x82: {  	_ =	shalt  }
0x83: {  	_ =	shalt  }
0x84: {  	_ =	shalt  }
0x85: {  	_ =	shalt  }
0x86: {  	_ =	shalt  }
0x87: {  	_ =	shalt  }
.Lfunc_end0:
.L_simem_size_0:
called_computation.1_lowered:
.L_overlay_start_0:
0x88: {  	s2 =	sld [smem:$0x3FD9]  }
0x89: {  	s3 =	sld [smem:$0x3FFE];
	_ =	sdelay $0x1  }
0x8a: {  	s1 =	srdreg.scid  }
0x8b: {  	s0 =	sand.u32 $0x1, s1  }
0x8c: {  	s17 =	sshll.u32 s0, $0xA;
	s2 =	sadd.s32 s3, s2  }
0x8d: {  	s2 =	sadd.s32 s2, s17  }
0x8e: {  	[smem:$0x3FC4] =	sst s2  }
0x8f: {  	_ = 	snop  }
0x90: {  	s2 =	sld [smem:$0x3FD0];
	(tm) =	ssettm $0x1  }
0x91: {  	s18 =	sld [smem:$0x3FFB];
	_ =	sdelay $0x3  }
0x92: {  	_ =	strace s18  }
0x93: {  	s3 =	sld [smem:$0x3FFC];
	_ =	sdelay $0x3  }
0x94: {  	_ =	strace s3  }
0x95: {  	s3 =	sld [smem:$0x3FFD];
	_ =	sdelay $0x3  }
0x96: {  	_ =	strace s3  }
0x97: {  	_ =	strace $0x8FFFFFFF  }
0x98: {  	s19 =	sld [smem:$0x3FDB];
	_ =	sdelay $0x1  }
0x99: {  	s4 =	simm.s32 $_scs_section_size  }
0x9a: {  	s5 =	simm.s32 $_size__tile_overlayer_lowered;
	s6 =	simm.s32 $_tile_overlayer_lowered  }
0x9b: {  	s22 =	simm.s32 $0x1BFF;
	s21 =	sshll.u32 s6, $0x1;
	s3 =	sadd.s32 s4, s19  }
0x9c: {  	s7 =	simm.s32 $0x0;
	s20 =	sshll.u32 s5, $0x1;
	s5 =	sadd.s32 s21, s3  }
0x9d: {  	[timem:s7], [sflag:s22] =	dma.local [hbm:s5], s20  }
0x9e: {  	_ =	swait.ge [sflag:s22], s20  }
0x9f: {  	s4 =	ssub.s32 $0x0, s20;
	[sflag:s22] =	ssyncset.done $0x0  }
0xa0: {  	[sflag:s22] =	ssyncadd.s32 s4;
	_ =	sdelay $0x1  }
0xa1: {  	s23 =	simm.s32 $0x1B8B  }
0xa2: {  	_ =	swait.ge [sflag:s23], $0x1  }
0xa3: {  	[sflag:s23] =	ssyncset.done $0x0  }
0xa4: {  	s25 =	simm.s32 $0x1B8E;
	s24 =	sld [smem:$0x3FFE];
	[sflag:s23] =	ssyncadd.s32 $0xFFFFFFFF  }
0xa5: {  	s26 =	simm.s32 $execute0_lowered;
	[smem:$0x3FD2] =	sst s25  }
0xa6: {  	s5 =	sshll.u32 s26, $0x1;
	_ =	strace $0x80000049;
	[dreg:$0x1] =	wrdreg $0xFFFFFFFF  }
0xa7: {  	s28 =	simm.s32 $_size_execute0_lowered;
	s3 =	sadd.s32 s3, s5;
	[dreg:$0x0] =	wrdreg $0x0  }
0xa8: {  	s5 =	sshll.u32 s28, $0x1;
	[dreg:$0x2] =	wrdreg s3  }
0xa9: {  	[dreg:$0x3] =	wrdreg s5  }
0xaa: {  	[dreg:$0x4] =	wrdreg $0xC0  }
0xab: {  	_ =	task [dreg:s7], $0x5FFFF  }
0xac: {  	[dreg:$0x1] =	wrdreg $0xFFFFFFFF  }
0xad: {  	[dreg:$0x0] =	wrdreg $0x60  }
0xae: {  	[dreg:$0x2] =	wrdreg s24  }
0xaf: {  	[dreg:$0x3] =	wrdreg s2  }
0xb0: {  	[dreg:$0x4] =	wrdreg $0xB6800  }
0xb1: {  	[dreg:$0x5] =	wrdreg $0x9  }
0xb2: {  	_ =	task.clear_ibuf [dreg:s7], $0x6FFFF;
	_ =	strace $0x90000049  }
0xb3: {  	s29 =	simm.s32 $0x9;
	_ =	strace $0x8000004B  }
0xb4: {  	_ =	swait.ge [sflag:s29], $0x1  }
0xb5: {  	[sflag:s29] =	ssyncadd.s32 $0xFFFFFFFF  }
0xb6: {  	_ =	strace $0x9000004B  }
0xb7: {  	_ =	sfence  }
0xb8: {  	s30 =	sld [smem:$0x0];
	_ =	sdelay $0x2  }
0xb9: {  	s31 =	sshll.u32 s1, $0xD;
	s1 =	sshrl.u32 s1, $0x2  }
0xba: {  	s3 =	sand.u32 $0x4000, s31;
	s1 =	sadd.s32 s1, s30  }
0xbb: {  	s0 =	sor.u32 s3, s0;
	s1 =	sshll.u32 s1, $0x11  }
0xbc: {  	s0 =	sor.u32 s1, s0  }
0xbd: {  	s0 =	sadd.s32 $0x8F2B, s0  }
0xbe: {  	[sflag:s0] =	ssyncadd.remote.s32 $0x1  }
0xbf: {  	_ =	sfence.sel $0xFFFF  }
0xc0: {  	[dreg:$0x0] =	wrdreg $0xFFFFFFFF;
	(pc) =	sbr.abs _section_cstart, $3  }
0xc1: {  	[dreg:$0x1] =	wrdreg $0xFFFFFFFF  }
0xc2: {  	_ =	task.clear_ibuf [dreg:s7], $0x2FFFF;
	_ =	strace $0x9FFFFFFF  }
0xc3: {  	(tm) =	ssettm $0x7FFFFFFF  }
tec
execute0_lowered:
.L_overlay_start_1:
0x0: {  	(tag) =	ssettag $0x1  }
0x1: {  	s0 =	rddreg [dreg:$0x0]  }
0x2: {  	s9 =	rddreg [dreg:$0x1]  }
0x3: {  	s3 =	rddreg [dreg:$0x2];
	s10 =	stileid.u32  }
0x4: {  	s1 =	srdreg.scid;
	s4 =	smul.u32 $0x14000, s10  }
0x5: {  	s6 =	simm.s32 $0x0;
	s28 =	simm.s32 $0x1;
	s19 =	smul.u32 $0x140, s10  }
0x6: {  	s29 =	simm.s32 $0x8;
	s30 =	simm.s32 $0x2;
	s23 =	smul.u32 $0x50000, s10  }
0x7: {  	s1 =	sand.u32 $0x1, s1;
	s5 =	sshll.u32 s10, $0x1;
	s10 =	smul.u32 $0x4E20, s10  }
0x8: {  	s31 =	simm.s32 $0x9;
	[smem:$0x7FF] =	sst s6;
	s2 =	smul.u32 $0x140000, s1  }
0x9: {  	s5 =	sor.u32 s1, s5;
	_ =	strace $0x8000004A;
	s20 =	smul.u32 $0x1400, s1  }
0xa: {  	s14 =	ssub.s32 $0x2, s1;
	s21 =	sxor.u32 $0x1, s1;
	s1 =	smul.u32 $0x2710, s1  }
0xb: {  	s13 =	smul.u32 $0x2710, s5;
	s5 =	sadd.s32 $0x1A00, s0;
	s15 =	sshrl.u32 s14, $0x1  }
0xc: {  	s25 =	sshrl.u32 s23, $0x2;
	s2 =	sadd.s32 s4, s2;
	s1 =	sadd.s32 s1, s10  }
0xd: {  	s2 =	sshrl.u32 s2, $0x3;
	s7 =	sshrl.u32 s13, $0x3;
	s16 =	sadd.s32 $0x4E228, s13  }
0xe: {  	s17 =	sadd.s32 $0x4E278, s13;
	s4 =	sadd.s32 $0x4E2C8, s13;
	s10 =	sadd.s32 $0x4E278, s1  }
0xf: {  	s12 =	sadd.s32 $0x4E2A0, s1;
	s13 =	sadd.s32 $0x4E250, s1;
	s8 =	sadd.s32 s9, s7  }
0x10: {  	s6 =	sshrl.u32 s16, $0x3;
	s7 =	sadd.s32 $0x9C40, s8;
	[dreg:$0x4] =	wrdreg s8  }
0x11: {  	s0 =	sadd.s32 s2, s0;
	s6 =	sadd.s32 s9, s6;
	[dreg:$0x5] =	wrdreg s7  }
0x12: {  	s2 =	ssub.s32 s14, s15;
	s11 =	sadd.s32 $0x9C4A, s8;
	[dreg:$0x6] =	wrdreg s6  }
0x13: {  	s4 =	sshrl.u32 s4, $0x3;
	s8 =	sadd.s32 $0x9C54, s8;
	[dreg:$0x7] =	wrdreg s11  }
0x14: {  	s18 =	sshrl.u32 s17, $0x3;
	s4 =	sadd.s32 s9, s4;
	[dreg:$0x9] =	wrdreg s8  }
0x15: {  	s0 =	sadd.s32 $0x29A00, s0;
	s2 =	smax.u32 s2, $0x1;
	[dreg:$0xa] =	wrdreg s4  }
0x16: {  	s6 =	sadd.s32 s9, s18;
	s8 =	smul.u32 $0x1400, s21;
	[dreg:$0xc] =	wrdreg s0  }
0x17: {  	s0 =	sadd.s32 s25, s3;
	[dreg:$0xe] =	wrdreg s2;
	s9 =	sadd.s32 $0x4E2C8, s1  }
0x18: {  	s11 =	sadd.s32 $0x4E228, s1;
	s21 =	sshrl.u32 s12, $0x3;
	s1 =	sadd.s32 $0x4E200, s1  }
0x19: {  	s7 =	simm.s32 $0x28;
	s2 =	simm.s32 $0xC;
	[dreg:$0x8] =	wrdreg s6  }
0x1a: {  	s6 =	sadd.s32 s19, s20;
	s18 =	sshrl.u32 s9, $0x3;
	s20 =	sshrl.u32 s11, $0x3  }
0x1b: {  	s23 =	sshrl.u32 s1, $0x3;
	s0 =	sshrl.u32 s0, $0x3;
	s11 =	simm.s32 $0x13  }
0x1c: {  	s22 =	sshll.u32 s6, $0x7;
	s6 =	sshll.u32 s6, $0x4;
	s24 =	sadd.s32 s19, s8  }
0x1d: {  	[dreg:$0x11] =	wrdreg s0;
	s4 =	sadd.s32 s22, s3;
	s6 =	sadd.s32 s5, s6  }
0x1e: {  	[dreg:$0xb] =	wrdreg s6;
	s6 =	sshll.u32 s24, $0x7;
	s14 =	sshrl.u32 s4, $0x3  }
0x1f: {  	s1 =	simm.s32 $0x5;
	s26 =	sadd.s32 s6, s3;
	[dreg:$0x10] =	wrdreg s14  }
0x20: {  	s9 =	simm.s32 $0x0;
	s8 =	sadd.s32 $0x1400, s26;
	[dreg:$0xd] =	wrdreg s26  }
0x21: {  	s19 =	sshrl.u32 s10, $0x3;
	s15 =	sadd.s32 $0x2800, s26;
	[dreg:$0xf] =	wrdreg s8  }
0x22: {  	s0 =	simm.s32 $0x3;
	s16 =	sadd.s32 $0x3C00, s26;
	[dreg:$0x12] =	wrdreg s15  }
0x23: {  	s22 =	sshrl.u32 s13, $0x3;
	s17 =	sadd.s32 $0x5000, s26;
	[dreg:$0x13] =	wrdreg s16  }
.Ltmp0:
0x24: {  	s24 =	sadd.s32 $0x6400, s26;
	[dreg:$0x14] =	wrdreg s17;
	(pc) =	sbr.rel .LBB2_1-.Ltmp0, $4  }
0x25: {  	s13 =	simm.s32 $0x2900;
	s25 =	sadd.s32 $0x7800, s26;
	[dreg:$0x15] =	wrdreg s24  }
0x26: {  	s4 =	simm.s32 $0x4;
	s26 =	sadd.s32 $0x8C00, s26;
	[dreg:$0x16] =	wrdreg s25  }
0x27: {  	s14 =	simm.s32 $0x6680;
	s6 =	simm.s32 $0x6;
	[dreg:$0x17] =	wrdreg s26  }
0x28: {  	v0 =	vimm.f32 $0.0e+00;
	s26 =	simm.s32 $0x7;
	s15 =	simm.s32 $0xA;
	s25 =	simm.s32 $0xB  }
.LBB2_6:
0x29: {  	s8 =	simm.s32 $0xD  }
0x2a: {  	_ =	swait.ge [sflag:s8], $0x1400  }
0x2b: {  	[sflag:s8] =	ssyncset.done $0x0  }
0x2c: {  	s24 =	simm.s32 $0xE;
	[sflag:s8] =	ssyncadd.s32 $0xFFFFEC00  }
0x2d: {  	_ =	swait.ge [sflag:s24], $0x1400  }
0x2e: {  	[sflag:s24] =	ssyncset.done $0x0  }
0x2f: {  	s9 =	simm.s32 $0xF;
	[sflag:s24] =	ssyncadd.s32 $0xFFFFEC00  }
0x30: {  	_ =	swait.ge [sflag:s9], $0x1400  }
0x31: {  	[sflag:s9] =	ssyncset.done $0x0  }
0x32: {  	s10 =	simm.s32 $0x10;
	[sflag:s9] =	ssyncadd.s32 $0xFFFFEC00  }
0x33: {  	_ =	swait.ge [sflag:s10], $0x1400  }
0x34: {  	[sflag:s10] =	ssyncset.done $0x0  }
0x35: {  	s11 =	simm.s32 $0x11;
	[sflag:s10] =	ssyncadd.s32 $0xFFFFEC00  }
0x36: {  	_ =	swait.ge [sflag:s11], $0x1400  }
0x37: {  	[sflag:s11] =	ssyncset.done $0x0  }
0x38: {  	s12 =	simm.s32 $0x12;
	[sflag:s11] =	ssyncadd.s32 $0xFFFFEC00  }
0x39: {  	_ =	swait.ge [sflag:s12], $0x1400  }
0x3a: {  	[sflag:s12] =	ssyncset.done $0x0  }
0x3b: {  	[sflag:s12] =	ssyncadd.s32 $0xFFFFEC00  }
0x3c: {  	[bflag:$0x0] =	sbarrier.arrive $0xFFFF  }
0x3d: {  	s16 =	rddreg [dreg:$0xc]  }
0x3e: {  	s9 =	rddreg [dreg:$0x11]  }
0x3f: {  	s11 =	simm.s32 $0x13;
	s10 =	rddreg [dreg:$0x19]  }
0x40: {  	[hbm:s16], [sflag:s10] =	dma.local [spmem:s9], $0x2800  }
0x41: {  	_ =	swait.ge [sflag:s11], $0x2800  }
0x42: {  	s17 =	rddreg [dreg:$0x18]  }
0x43: {  	s24 =	rddreg [dreg:$0xe];
	s9 =	sadd.s32 $0x1, s17  }
0x44: {  	p0 =	sne.s32 s9, s24  }
.Ltmp1:
0x45: {  	_ = 	snop;
	(pc) =	sbr.rel @!p0 .LBB2_7-.Ltmp1, $3  }
0x46: {  	_ =	sdelay $0x1  }
0x47: {  	[sflag:s11] =	ssyncset.done $0x0  }
0x48: {  	[sflag:s11] =	ssyncadd.s32 $0xFFFFD800  }
.LBB2_1:
0x49: {  	[dreg:$0x18] =	wrdreg s9  }
0x4a: {  	s10 =	simm.s32 $0x0;
	s8 =	rddreg [dreg:$0x4]  }
0x4b: {  	[tilespmem:s10], [sflag:$0x13] =	stream.linear.gather [hbm4b:s8+s10], $0x2710, $0x38;
	[tilespmem:$0x1F680] =	vst v63  }
0x4c: {  	_ =	swait.ge [sflag:s11], $0x2710  }
0x4d: {  	[sflag:s11] =	ssyncset.done $0x0  }
0x4e: {  	s24 =	simm.s32 $0x2780;
	s17 =	rddreg [dreg:$0x5];
	[sflag:s11] =	ssyncadd.s32 $0xFFFFD8F0  }
0x4f: {  	[tilespmem:s24], [sflag:$0x1] =	stream.linear.gather [hbm4b:s17+s10], $0x28, $0x38;
	[tilespmem:$0x1F680] =	vst v63  }
0x50: {  	s12 =	simm.s32 $0x2A80  }
0x51: {  	[tilespmem:s12], [sflag:$0x7] =	stream.indirect.gather [hbm4b:s5+s7], $0x80, s10, s7, $0xb8;
	[tilespmem:$0x1F680] =	vst v63  }
0x52: {  	s16 =	rddreg [dreg:$0x6];
	s17 =	simm.s32 $0x2800  }
0x53: {  	[tilespmem:s17], [sflag:$0x2] =	stream.linear.gather [hbm4b:s16+s10], $0x28, $0x38;
	[tilespmem:$0x1F680] =	vst v63  }
0x54: {  	s24 =	simm.s32 $0x3E80  }
0x55: {  	[tilespmem:s24], [sflag:$0x8] =	stream.indirect.gather [hbm4b:s5+s7], $0x80, s7, s7, $0xb8;
	[tilespmem:$0x1F680] =	vst v63  }
0x56: {  	s9 =	rddreg [dreg:$0x7];
	s12 =	simm.s32 $0x2880  }
0x57: {  	[tilespmem:s12], [sflag:$0x3] =	stream.linear.gather [hbm4b:s9+s10], $0x28, $0x38;
	[tilespmem:$0x1F680] =	vst v63  }
0x58: {  	s16 =	simm.s32 $0x50;
	s17 =	simm.s32 $0x5280  }
0x59: {  	[tilespmem:s17], [sflag:$0x9] =	stream.indirect.gather [hbm4b:s5+s7], $0x80, s16, s7, $0xb8;
	[tilespmem:$0x1F680] =	vst v63  }
0x5a: {  	s24 =	rddreg [dreg:$0x8]  }
0x5b: {  	[tilespmem:s13], [sflag:$0x4] =	stream.linear.gather [hbm4b:s24+s10], $0x28, $0x38;
	[tilespmem:$0x1F680] =	vst v63  }
0x5c: {  	s9 =	simm.s32 $0x78  }
0x5d: {  	[tilespmem:s14], [sflag:$0xA] =	stream.indirect.gather [hbm4b:s5+s7], $0x80, s9, s7, $0xb8;
	[tilespmem:$0x1F680] =	vst v63  }
0x5e: {  	s12 =	rddreg [dreg:$0x9];
	s16 =	simm.s32 $0x2980  }
0x5f: {  	[tilespmem:s16], [sflag:$0x5] =	stream.linear.gather [hbm4b:s12+s10], $0x28, $0x38;
	[tilespmem:$0x1F680] =	vst v63  }
0x60: {  	s17 =	simm.s32 $0xA0;
	s24 =	simm.s32 $0x7A80  }
0x61: {  	[tilespmem:s24], [sflag:$0xB] =	stream.indirect.gather [hbm4b:s5+s7], $0x80, s17, s7, $0xb8;
	[tilespmem:$0x1F680] =	vst v63  }
0x62: {  	s12 =	rddreg [dreg:$0xa];
	s16 =	simm.s32 $0x2A00  }
0x63: {  	[tilespmem:s16], [sflag:$0x6] =	stream.linear.gather [hbm4b:s12+s10], $0x28, $0x38;
	[tilespmem:$0x1F680] =	vst v63  }
0x64: {  	s17 =	simm.s32 $0xC8;
	s12 =	stileid.u32  }
0x65: {  	s24 =	simm.s32 $0x8E80;
	s16 =	rddreg [dreg:$0xb];
	s8 =	sshll.u32 s12, $0x6  }
0x66: {  	[tilespmem:s24], [sflag:$0xC] =	stream.indirect.gather [hbm4b:s5+s7], $0x80, s17, s7, $0xb8;
	[tilespmem:$0x1F680] =	vst v63  }
0x67: {  	s12 =	sor.u32 $0x1C13, s8;
	s17 =	rddreg [dreg:$0x10]  }
0x68: {  	s24 =	sand.u32 $0x7E00, s10;
	[dreg:$0x19] =	wrdreg s12  }
0x69: {  	[spmem:s17], [sflag:s12] =	dma.local [hbm:s16], $0x1400  }
0x6a: {  	s10 =	sand.u32 $0x40, s10;
	s9 =	sshrl.u32 s24, $0x2;
	_ =	swait.ge [sflag:s11], $0x1400  }
0x6b: {  	s8 =	simm.s32 $0x0;
	s9 =	sor.u32 s10, s9;
	[sflag:s11] =	ssyncset.done $0x0  }
0x6c: {  	s16 =	simm.s32 $0x0;
	s10 =	simm.s32 $0x0;
	[sflag:s11] =	ssyncadd.s32 $0xFFFFEC00  }
.LBB2_2:
0x6d: {  	s8 =	sadd.s32 $0x4, s8  }
0x6e: {  	[tilespmem:s9+$0xA2B0] =	vst v0;
	s16 =	sadd.s32 $0x40, s16;
	s10 =	sadd.s32 $0x100, s10;
	p0 =	slt.u32 s8, $0x13C  }
.Ltmp2:
0x6f: {  	[tilespmem:s9+$0xA2A0] =	vst v0;
	(pc) =	sbr.rel @p0 .LBB2_2-.Ltmp2, $4  }
0x70: {  	[tilespmem:s9+$0xA280] =	vst v0  }
0x71: {  	s17 =	sand.u32 $0x7E00, s10;
	[tilespmem:s9+$0xA290] =	vst v0  }
0x72: {  	s17 =	sshrl.u32 s17, $0x2;
	s9 =	sand.u32 $0x40, s16  }
0x73: {  	s9 =	sor.u32 s9, s17  }
0x74: {  	[tilespmem:s9+$0xA2B0] =	vst v0  }
0x75: {  	[tilespmem:s9+$0xA2A0] =	vst v0  }
0x76: {  	[tilespmem:s9+$0xA280] =	vst v0  }
0x77: {  	[tilespmem:s9+$0xA290] =	vst v0;
	s8 =	rddreg [dreg:$0xd];
	s9 =	simm.s32 $0xA280  }
0x78: {  	[spmem:s8] =	stream.linear.scatter [tilespmem:s9], [sflag:$0x13], $0x1400, $0x38;
	[tilespmem:$0x1F680] =	vst v63  }
0x79: {  	_ =	swait.ge [sflag:s11], $0x1400  }
0x7a: {  	[sflag:s11] =	ssyncset.done $0x0  }
0x7b: {  	s17 =	rddreg [dreg:$0xf];
	[sflag:s11] =	ssyncadd.s32 $0xFFFFEC00  }
0x7c: {  	[spmem:s17] =	stream.linear.scatter [tilespmem:s9], [sflag:$0x13], $0x1400, $0x38;
	[tilespmem:$0x1F680] =	vst v63  }
0x7d: {  	_ =	swait.ge [sflag:s11], $0x1400  }
0x7e: {  	[sflag:s11] =	ssyncset.done $0x0  }
0x7f: {  	s24 =	rddreg [dreg:$0x12];
	[sflag:s11] =	ssyncadd.s32 $0xFFFFEC00  }
0x80: {  	[spmem:s24] =	stream.linear.scatter [tilespmem:s9], [sflag:$0x13], $0x1400, $0x38;
	[tilespmem:$0x1F680] =	vst v63  }
0x81: {  	_ =	swait.ge [sflag:s11], $0x1400  }
0x82: {  	[sflag:s11] =	ssyncset.done $0x0  }
0x83: {  	s10 =	rddreg [dreg:$0x13];
	[sflag:s11] =	ssyncadd.s32 $0xFFFFEC00  }
0x84: {  	[spmem:s10] =	stream.linear.scatter [tilespmem:s9], [sflag:$0x13], $0x1400, $0x38;
	[tilespmem:$0x1F680] =	vst v63  }
0x85: {  	_ =	swait.ge [sflag:s11], $0x1400  }
0x86: {  	[sflag:s11] =	ssyncset.done $0x0  }
0x87: {  	s12 =	rddreg [dreg:$0x14];
	[sflag:s11] =	ssyncadd.s32 $0xFFFFEC00  }
0x88: {  	[spmem:s12] =	stream.linear.scatter [tilespmem:s9], [sflag:$0x13], $0x1400, $0x38;
	[tilespmem:$0x1F680] =	vst v63  }
0x89: {  	_ =	swait.ge [sflag:s11], $0x1400  }
0x8a: {  	[sflag:s11] =	ssyncset.done $0x0  }
0x8b: {  	s16 =	rddreg [dreg:$0x15];
	[sflag:s11] =	ssyncadd.s32 $0xFFFFEC00  }
0x8c: {  	[spmem:s16] =	stream.linear.scatter [tilespmem:s9], [sflag:$0x13], $0x1400, $0x38;
	[tilespmem:$0x1F680] =	vst v63  }
0x8d: {  	_ =	swait.ge [sflag:s11], $0x1400  }
0x8e: {  	[sflag:s11] =	ssyncset.done $0x0  }
0x8f: {  	s17 =	rddreg [dreg:$0x16];
	[sflag:s11] =	ssyncadd.s32 $0xFFFFEC00  }
0x90: {  	[spmem:s17] =	stream.linear.scatter [tilespmem:s9], [sflag:$0x13], $0x1400, $0x38;
	[tilespmem:$0x1F680] =	vst v63  }
0x91: {  	_ =	swait.ge [sflag:s11], $0x1400  }
0x92: {  	[sflag:s11] =	ssyncset.done $0x0  }
0x93: {  	s24 =	rddreg [dreg:$0x17];
	[sflag:s11] =	ssyncadd.s32 $0xFFFFEC00  }
0x94: {  	[spmem:s24] =	stream.linear.scatter [tilespmem:s9], [sflag:$0x13], $0x1400, $0x38;
	[tilespmem:$0x1F680] =	vst v63  }
0x95: {  	_ =	swait.ge [sflag:s11], $0x1400  }
0x96: {  	[sflag:s11] =	ssyncset.done $0x0  }
0x97: {  	[sflag:s11] =	ssyncadd.s32 $0xFFFFEC00  }
0x98: {  	[bflag:$0x0] =	sbarrier.arrive $0xFFFF  }
0x99: {  	s8 =	simm.s32 $0x0;
	s9 =	simm.s32 $0xFFFFFFFA;
	s16 =	rddreg [dreg:$0x1]  }
.LBB2_4:
0x9a: {  	p0 =	sgt.u32 s9, $0xF3  }
0x9b: {  	s10 =	simm.s32 @!p0 $0xD  }
0x9c: {  	_ =	swait.ge @!p0 [sflag:s10], $0x1400  }
0x9d: {  	s17 =	simm.s32 @!p0 $0x0;
	[sflag:s10] =	ssyncset.done @!p0 $0x0  }
0x9e: {  	s11 =	simm.s32 @!p0 $0x2780;
	[sflag:s10] =	ssyncadd.s32 @!p0 $0xFFFFEC00;
	s10 =	sadd.s32 @!p0 s16, s23  }
0x9f: {  	[tilespmem:s11], [sflag:$0x1] =	stream.linear.gather @!p0 [hbm4b:s10+s17], $0x28, $0x38;
	[tilespmem:$0x1F680] =	vst v63  }
0xa0: {  	s10 =	sshra.s32 @!p0 s8, $0x2;
	s11 =	simm.s32 @!p0 $0x28;
	s17 =	simm.s32 @!p0 $0x2A80  }
0xa1: {  	[tilespmem:s17], [sflag:$0x7] =	stream.indirect.gather @!p0 [hbm4b:s5+s11], $0x80, s10, s11, $0xb8;
	[tilespmem:$0x1F680] =	vst v63  }
0xa2: {  	p0 =	seq.s32 s8, $0x0  }
0xa3: {  	s10 =	simm.s32 @!p0 $0xE  }
0xa4: {  	_ =	swait.ge @!p0 [sflag:s10], $0x1400  }
0xa5: {  	s11 =	simm.s32 @!p0 $0x0;
	[sflag:s10] =	ssyncset.done @!p0 $0x0  }
0xa6: {  	s17 =	simm.s32 @!p0 $0x2800;
	[sflag:s10] =	ssyncadd.s32 @!p0 $0xFFFFEC00;
	s10 =	sadd.s32 @!p0 s16, s20  }
0xa7: {  	[tilespmem:s17], [sflag:$0x2] =	stream.linear.gather @!p0 [hbm4b:s10+s11], $0x28, $0x38;
	[tilespmem:$0x1F680] =	vst v63  }
0xa8: {  	s10 =	sshra.s32 @!p0 s8, $0x2  }
0xa9: {  	s24 =	simm.s32 @!p0 $0x28;
	s12 =	simm.s32 @!p0 $0x3E80;
	s17 =	sadd.s32 @!p0 $0x28, s10  }
0xaa: {  	[tilespmem:s12], [sflag:$0x8] =	stream.indirect.gather @!p0 [hbm4b:s5+s24], $0x80, s17, s24, $0xb8;
	[tilespmem:$0x1F680] =	vst v63  }
0xab: {  	s12 =	simm.s32 @!p0 $0xF  }
0xac: {  	_ =	swait.ge @!p0 [sflag:s12], $0x1400  }
0xad: {  	[sflag:s12] =	ssyncset.done @!p0 $0x0  }
0xae: {  	s17 =	simm.s32 @!p0 $0x2880;
	[sflag:s12] =	ssyncadd.s32 @!p0 $0xFFFFEC00;
	s12 =	sadd.s32 @!p0 s16, s22  }
0xaf: {  	[tilespmem:s17], [sflag:$0x3] =	stream.linear.gather @!p0 [hbm4b:s12+s11], $0x28, $0x38;
	[tilespmem:$0x1F680] =	vst v63  }
0xb0: {  	s12 =	sadd.s32 @!p0 $0x50, s10;
	s17 =	simm.s32 @!p0 $0x5280  }
0xb1: {  	[tilespmem:s17], [sflag:$0x9] =	stream.indirect.gather @!p0 [hbm4b:s5+s24], $0x80, s12, s24, $0xb8;
	[tilespmem:$0x1F680] =	vst v63  }
0xb2: {  	s12 =	simm.s32 @!p0 $0x10  }
0xb3: {  	_ =	swait.ge @!p0 [sflag:s12], $0x1400  }
0xb4: {  	[sflag:s12] =	ssyncset.done @!p0 $0x0  }
0xb5: {  	s17 =	simm.s32 @!p0 $0x2900;
	[sflag:s12] =	ssyncadd.s32 @!p0 $0xFFFFEC00;
	s12 =	sadd.s32 @!p0 s16, s19  }
0xb6: {  	[tilespmem:s17], [sflag:$0x4] =	stream.linear.gather @!p0 [hbm4b:s12+s11], $0x28, $0x38;
	[tilespmem:$0x1F680] =	vst v63  }
0xb7: {  	s10 =	sadd.s32 @!p0 $0x78, s10;
	s11 =	simm.s32 @!p0 $0x6680  }
0xb8: {  	[tilespmem:s11], [sflag:$0xA] =	stream.indirect.gather @!p0 [hbm4b:s5+s24], $0x80, s10, s24, $0xb8;
	[tilespmem:$0x1F680] =	vst v63  }
0xb9: {  	s10 =	sadd.s32 @!p0 $0x4, s9  }
0xba: {  	p1 =	sgt.u32 @!p0 s10, $0xF3  }
0xbb: {  	p0 =	por p1, p0  }
0xbc: {  	s10 =	simm.s32 @!p0 $0x11  }
0xbd: {  	_ =	swait.ge @!p0 [sflag:s10], $0x1400  }
0xbe: {  	s11 =	simm.s32 @!p0 $0x0;
	[sflag:s10] =	ssyncset.done @!p0 $0x0  }
0xbf: {  	s12 =	simm.s32 @!p0 $0x2980;
	[sflag:s10] =	ssyncadd.s32 @!p0 $0xFFFFEC00;
	s10 =	sadd.s32 @!p0 s16, s21  }
0xc0: {  	[tilespmem:s12], [sflag:$0x5] =	stream.linear.gather @!p0 [hbm4b:s10+s11], $0x28, $0x38;
	[tilespmem:$0x1F680] =	vst v63  }
0xc1: {  	s10 =	sshra.s32 @!p0 s8, $0x2  }
0xc2: {  	s17 =	simm.s32 @!p0 $0x28;
	s24 =	simm.s32 @!p0 $0x7A80;
	s12 =	sadd.s32 @!p0 $0xA0, s10  }
0xc3: {  	[tilespmem:s24], [sflag:$0xB] =	stream.indirect.gather @!p0 [hbm4b:s5+s17], $0x80, s12, s17, $0xb8;
	[tilespmem:$0x1F680] =	vst v63  }
0xc4: {  	s12 =	simm.s32 @!p0 $0x12  }
0xc5: {  	_ =	swait.ge @!p0 [sflag:s12], $0x1400  }
0xc6: {  	[sflag:s12] =	ssyncset.done @!p0 $0x0  }
0xc7: {  	s24 =	simm.s32 @!p0 $0x2A00;
	[sflag:s12] =	ssyncadd.s32 @!p0 $0xFFFFEC00;
	s12 =	sadd.s32 @!p0 s16, s18  }
0xc8: {  	[tilespmem:s24], [sflag:$0x6] =	stream.linear.gather @!p0 [hbm4b:s12+s11], $0x28, $0x38;
	[tilespmem:$0x1F680] =	vst v63  }
0xc9: {  	s10 =	sadd.s32 @!p0 $0xC8, s10;
	s11 =	simm.s32 @!p0 $0x8E80  }
0xca: {  	[tilespmem:s11], [sflag:$0xC] =	stream.indirect.gather @!p0 [hbm4b:s5+s17], $0x80, s10, s17, $0xb8;
	[tilespmem:$0x1F680] =	vst v63  }
0xcb: {  	_ =	swait.ge [sflag:s26], $0x1400  }
0xcc: {  	[sflag:s26] =	ssyncset.done $0x0  }
0xcd: {  	[sflag:s26] =	ssyncadd.s32 $0xFFFFEC00  }
0xce: {  	_ =	swait.ge [sflag:s28], $0x28  }
0xcf: {  	[sflag:s28] =	ssyncset.done $0x0  }
0xd0: {  	s24 =	simm.s32 $0x2A80;
	s17 =	simm.s32 $0x2780;
	[sflag:s28] =	ssyncadd.s32 $0xFFFFFFD8  }
0xd1: {  	[spmem:s3] =	stream.indirect.scatter.add.f32 [tilespmem:s24], [sflag:$0xD], $0x80, s17, s7, $0xb8;
	[tilespmem:$0x1F680] =	vst v63  }
0xd2: {  	_ =	swait.ge [sflag:s29], $0x1400  }
0xd3: {  	[sflag:s29] =	ssyncset.done $0x0  }
0xd4: {  	[sflag:s29] =	ssyncadd.s32 $0xFFFFEC00  }
0xd5: {  	_ =	swait.ge [sflag:s30], $0x28  }
0xd6: {  	[sflag:s30] =	ssyncset.done $0x0  }
0xd7: {  	s12 =	simm.s32 $0x3E80;
	s11 =	simm.s32 $0x2800;
	[sflag:s30] =	ssyncadd.s32 $0xFFFFFFD8  }
0xd8: {  	[spmem:s3] =	stream.indirect.scatter.add.f32 [tilespmem:s12], [sflag:$0xE], $0x80, s11, s7, $0xb8;
	[tilespmem:$0x1F680] =	vst v63  }
0xd9: {  	_ =	swait.ge [sflag:s31], $0x1400  }
0xda: {  	[sflag:s31] =	ssyncset.done $0x0  }
0xdb: {  	[sflag:s31] =	ssyncadd.s32 $0xFFFFEC00  }
0xdc: {  	_ =	swait.ge [sflag:s0], $0x28  }
0xdd: {  	[sflag:s0] =	ssyncset.done $0x0  }
0xde: {  	s17 =	simm.s32 $0x2880;
	s24 =	simm.s32 $0x5280;
	[sflag:s0] =	ssyncadd.s32 $0xFFFFFFD8  }
0xdf: {  	[spmem:s3] =	stream.indirect.scatter.add.f32 [tilespmem:s24], [sflag:$0xF], $0x80, s17, s7, $0xb8;
	[tilespmem:$0x1F680] =	vst v63  }
0xe0: {  	_ =	swait.ge [sflag:s15], $0x1400  }
0xe1: {  	p0 =	seq.s32 s8, $0x99C0;
	[sflag:s15] =	ssyncset.done $0x0  }
.Ltmp3:
0xe2: {  	[sflag:s15] =	ssyncadd.s32 $0xFFFFEC00;
	(pc) =	sbr.rel @p0 .LBB2_6-.Ltmp3, $4  }
0xe3: {  	_ =	swait.ge [sflag:s4], $0x28  }
0xe4: {  	[sflag:s4] =	ssyncset.done $0x0  }
0xe5: {  	[sflag:s4] =	ssyncadd.s32 $0xFFFFFFD8  }
0xe6: {  	[spmem:s3] =	stream.indirect.scatter.add.f32 [tilespmem:s14], [sflag:$0x10], $0x80, s13, s7, $0xb8;
	[tilespmem:$0x1F680] =	vst v63  }
0xe7: {  	_ =	swait.ge [sflag:s25], $0x1400  }
0xe8: {  	[sflag:s25] =	ssyncset.done $0x0  }
0xe9: {  	[sflag:s25] =	ssyncadd.s32 $0xFFFFEC00  }
0xea: {  	_ =	swait.ge [sflag:s1], $0x28  }
0xeb: {  	[sflag:s1] =	ssyncset.done $0x0  }
0xec: {  	s10 =	simm.s32 $0x2980;
	s11 =	simm.s32 $0x7A80;
	[sflag:s1] =	ssyncadd.s32 $0xFFFFFFD8  }
0xed: {  	[spmem:s3] =	stream.indirect.scatter.add.f32 [tilespmem:s11], [sflag:$0x11], $0x80, s10, s7, $0xb8;
	[tilespmem:$0x1F680] =	vst v63  }
0xee: {  	_ =	swait.ge [sflag:s2], $0x1400  }
0xef: {  	[sflag:s2] =	ssyncset.done $0x0  }
.Ltmp4:
0xf0: {  	[sflag:s2] =	ssyncadd.s32 $0xFFFFEC00;
	(pc) =	sbr.rel .LBB2_4-.Ltmp4, $4  }
0xf1: {  	s17 =	simm.s32 $0x2A00;
	_ =	swait.ge [sflag:s6], $0x28  }
0xf2: {  	s24 =	simm.s32 $0x8E80;
	s8 =	sadd.s32 $0x3C0, s8;
	[sflag:s6] =	ssyncset.done $0x0  }
0xf3: {  	s16 =	sadd.s32 $0x1E, s16;
	s9 =	sadd.s32 $0x6, s9;
	[sflag:s6] =	ssyncadd.s32 $0xFFFFFFD8  }
0xf4: {  	[spmem:s3] =	stream.indirect.scatter.add.f32 [tilespmem:s24], [sflag:$0x12], $0x80, s17, s7, $0xb8;
	[tilespmem:$0x1F680] =	vst v63  }
.LBB2_7:
0xf5: {  	_ =	sfence.sel $0x180000  }
0xf6: {  	[bflag:$0x0] =	sbarrier.arrive $0xFFFF  }
0xf7: {  	_ =	strace $0x9000004A  }
0xf8: {  	s0 =	stileid.u32;
	[bflag:$0x2] =	sbarrier.arrive $0xFFFF  }
0xf9: {  	p0 =	sne.s32 s0, $0x0;
	s0 =	rddreg [dreg:$0x3]  }
0xfa: {  	s0 =	sadd.s32 @!p0 $0x100000, s0  }
0xfb: {  	[sflag:s0] =	ssyncadd.tile.s32 @!p0 $0x1;
	_ =	shalt  }
.Lfunc_end2:
_tile_overlayer_lowered:
.L_overlay_start_2:
0xfc: {  	(tag) =	ssettag $0x2  }
0xfd: {  	s0 =	rddreg [dreg:$0x0];
	s2 =	stileid.u32  }
0xfe: {  	s1 =	rddreg [dreg:$0x1];
	p0 =	sne.s32 s2, $0x0  }
0xff: {  	s3 =	rddreg [dreg:$0x2];
	[bflag:$0x3] =	sbarrier.arrive $0xFFFF;
	s2 =	simm.s32 @!p0 $0x1C13  }
0x100: {  	[timem:s3], [sflag:s2] =	dma.local @!p0 [hbm:s0], s1  }
0x101: {  	s0 =	simm.s32 @!p0 $0x13  }
0x102: {  	_ =	swait.ge @!p0 [sflag:s0], s1  }
0x103: {  	s1 =	ssub.s32 @!p0 $0x0, s1;
	[sflag:s0] =	ssyncset.done @!p0 $0x0  }
0x104: {  	[sflag:s0] =	ssyncadd.s32 @!p0 s1  }
0x105: {  	[bflag:$0x3] =	sbarrier.arrive $0xFFFF  }
0x106: {  	_ =	shalt  }

</sc_bundles>
